<compile_context>
chip_gen: v7x
topology: tpu7x:2x2x1
jax: 0.10.2.dev20260603
libtpu: 0.0.44.dev20260713+nightly
codegen_flags: <defaults>
</compile_context>

<pallas_src>
import jax
import jax.numpy as jnp
from jax import lax
from jax.experimental import pallas as pl
from jax.experimental.pallas import tpu as pltpu
from jax.experimental.pallas import tpu_sc as plsc

B = 4096
G = 100
OD = 16
NW = 32
BT = B // NW
NCHUNK = BT // 16
ROW = G * OD


def _splat(x, l):
    return lax.gather(
        x,
        jnp.zeros((16, 1), jnp.int32) + l,
        lax.GatherDimensionNumbers(
            offset_dims=(), collapsed_slice_dims=(0,), start_index_map=(0,)),
        (1,),
        mode=lax.GatherScatterMode.PROMISE_IN_BOUNDS,
    )


def _body(xt_hbm, tab_hbm, out_hbm, a_buf, tab_buf, out_buf, sem0, sem1):
    wid = lax.axis_index("s") * 2 + lax.axis_index("c")
    pltpu.sync_copy(xt_hbm.at[:, pl.ds(wid * BT, BT)], a_buf)
    pltpu.sync_copy(tab_hbm, tab_buf)

    def do_g(g, par16, sem):
        gbase = g * 136
        row7 = tab_buf[pl.ds(gbase + 119, 16)]

        def coefs(col):
            va0 = a_buf[3 * g, pl.ds(col, 16)]
            va1 = a_buf[3 * g + 1, pl.ds(col, 16)]
            va2 = a_buf[3 * g + 2, pl.ds(col, 16)]
            vmin = jnp.minimum(jnp.minimum(va0, va1), va2)
            vmax = jnp.maximum(jnp.maximum(va0, va1), va2)
            vmid = jnp.maximum(jnp.minimum(va0, va1),
                               jnp.minimum(jnp.maximum(va0, va1), va2))
            pmin = jnp.where((va0 <= va1) & (va0 <= va2), jnp.int32(1),
                             jnp.where(va1 <= va2, jnp.int32(2),
                                       jnp.int32(4)))
            pmax = jnp.where((va2 >= va0) & (va2 >= va1), jnp.int32(4),
                             jnp.where(va1 >= va0, jnp.int32(2),
                                       jnp.int32(1)))
            return (vmin, vmid - vmin, vmax - vmid,
                    gbase + 119 - pmin * 17, gbase + pmax * 17)

        def c_body(ci, carry):
            cols = [ci * 64 + k * 16 for k in range(4)]
            cc = [coefs(col) for col in cols]

            @plsc.parallel_loop(0, 16, unroll=2)
            def l_body(l):
                s7 = _splat(row7, l)
                for (c0, c1, c2, idx_mid, idx_max), col in zip(cc, cols):
                    smid = plsc.load_gather(tab_buf, [idx_mid + l])
                    smax = plsc.load_gather(tab_buf, [idx_max + l])
                    o = c0 * s7 + c1 * smid + c2 * smax
                    out_buf[par16 + l, pl.ds(col, 16)] = o

            return carry

        lax.fori_loop(0, NCHUNK // 4, c_body, 0)
        pltpu.async_copy(
            out_buf.at[pl.ds(par16, 16)],
            out_hbm.at[pl.ds(g * 16, 16), pl.ds(wid * BT, BT)],
            sem,
        )

    def wait_g(g, par16, sem):
        pltpu.make_async_copy(
            out_buf.at[pl.ds(par16, 16)],
            out_hbm.at[pl.ds(g * 16, 16), pl.ds(wid * BT, BT)],
            sem,
        ).wait()

    def pair_body(gg, carry):
        g_even = gg * 2
        g_odd = gg * 2 + 1

        @pl.when(gg >= 1)
        def _w0():
            wait_g(g_even - 2, 0, sem0)

        do_g(g_even, 0, sem0)

        @pl.when(gg >= 1)
        def _w1():
            wait_g(g_odd - 2, 16, sem1)

        do_g(g_odd, 16, sem1)
        return carry

    lax.fori_loop(0, G // 2, pair_body, 0)
    wait_g(G - 2, 0, sem0)
    wait_g(G - 1, 16, sem1)


@jax.jit
def kernel(X, params):
    xt = X.T
    tab = jnp.pad(params.reshape(G * 8, OD), ((0, 0), (0, 1))).reshape(G * 8 * 17)
    run = pl.kernel(
        _body,
        out_type=jax.ShapeDtypeStruct((ROW, B), jnp.float32),
        mesh=plsc.VectorSubcoreMesh(core_axis_name="c", subcore_axis_name="s"),
        compiler_params=pltpu.CompilerParams(
            needs_layout_passes=False, use_tc_tiling_on_sc=True),
        scratch_types=[
            pltpu.VMEM((3 * G, BT), jnp.float32),
            pltpu.VMEM((G * 8 * 17,), jnp.float32),
            pltpu.VMEM((32, BT), jnp.float32),
            pltpu.SemaphoreType.DMA,
            pltpu.SemaphoreType.DMA,
        ],
    )
    out = run(xt, tab)
    return out.T

# --- scband reference (transcript-rebuilt; emitter-appended) ---
"""Pipeline reference for scband-high-order-activation-a-89446988906949 (READ-ONLY COPY).

The authoritative reference and input builder live on the scoring server;
editing this copy changes nothing except your own understanding.
"""

import jax, jax.numpy as jnp
import numpy as np


def high_order_act(A, params):
    # A: [B, G, arity] float, params: [G, 2**arity, out_dim]
    A_sort = jnp.sort(A, axis=2)
    A_ind = jnp.argsort(A, axis=2)
    A_diff = A_sort[:, :, 1:] - A_sort[:, :, :-1]
    coef = jnp.concatenate([A_sort[:, :, 0:1], A_diff], axis=2)  # [B, G, arity]
    pow2 = jnp.power(2, A_ind).astype(jnp.int32)
    params_A_ind = jnp.flip(jnp.cumsum(jnp.flip(pow2, axis=2), axis=2), axis=2)  # [B, G, arity]
    ind0 = jnp.arange(params.shape[0])[:, None, None]          # [G, 1, 1]
    ind1 = jnp.transpose(params_A_ind, (1, 0, 2))              # [G, B, arity]
    params_gather = params[ind0, ind1, :]                      # [G, B, arity, out_dim] gather
    out = jnp.einsum('jikl,ijk->ijl', params_gather, coef)     # [B, G, out_dim]
    return out


def setup_inputs(seed: int = 0) -> dict:
    key = jax.random.key(seed)
    k1, k2 = jax.random.split(key)
    arity, input_groups, out_dim = 3, 100, 16
    batch = 4096
    X = jax.random.uniform(k1, (batch, input_groups * arity), dtype=jnp.float32)
    params = jax.random.normal(k2, (input_groups, 2 ** arity, out_dim), dtype=jnp.float32)
    return {"X": X, "params": params}


def reference(X, params):
    B = X.shape[0]
    G, P, out_dim = params.shape
    arity = X.shape[1] // G
    X1 = X.reshape(B, G, arity)
    out1 = high_order_act(X1, params)
    return out1.reshape(B, G * out_dim)

if __name__ == "__main__":
    import jax
    _d = setup_inputs()
    print(jax.jit(kernel)(*tuple(_d.values())))

</pallas_src>

<mosaic_0001>
#map = affine_map<(d0, d1) -> (0, 0)>
#map1 = affine_map<(d0, d1) -> (0)>
module attributes {stable_mosaic.version = 14 : i64} {
  func.func @_body(%arg0: i32, %arg1: i32, %arg2: memref<300x4096xf32, #tpu.memory_space<hbm>>, %arg3: memref<13600xf32, #tpu.memory_space<hbm>>, %arg4: memref<1600x4096xf32, #tpu.memory_space<hbm>>, %arg5: memref<300x128xf32, #tpu.memory_space<vmem>>, %arg6: memref<13600xf32, #tpu.memory_space<vmem>>, %arg7: memref<32x128xf32, #tpu.memory_space<vmem>>, %arg8: memref<!tpu.dma_semaphore, #tpu.memory_space<semaphore_mem>>, %arg9: memref<!tpu.dma_semaphore, #tpu.memory_space<semaphore_mem>>) attributes {dimension_semantics = [#tpu.dimension_semantics<core_parallel>, #tpu.dimension_semantics<subcore_parallel>], iteration_bounds = array<i64: 2, 16>, scalar_prefetch = 0 : i64, scratch_operands = 5 : i64, tpu.core_type = #tpu.core_type<sc_vector_subcore>, window_params = [{transform_indices = #map}, {transform_indices = #map1}, {transform_indices = #map}]} {
    %mul3A = arith.constant 2 : i32
    %mul3A_0 = arith.muli %arg1, %mul3A : i32
    %add3A = arith.addi %mul3A_0, %arg0 : i32
    %mul3A_1 = arith.constant 128 : i32
    %mul3A_2 = arith.muli %add3A, %mul3A_1 : i32
    "tpu.region"() ({
      %run_scoped3A = tpu.sem_alloc : memref<!tpu.dma_semaphore, #tpu.memory_space<semaphore_mem>>
      %dma_start3A = arith.constant 0 : i32
      %dma_start3A_31 = tpu.memref_slice %arg2[%dma_start3A, %mul3A_2] : memref<300x4096xf32, #tpu.memory_space<hbm>> -> memref<300x128xf32, #tpu.memory_space<hbm>>
      %dma_start3A_32 = arith.constant 0 : i32
      %dma_start3A_33 = tpu.memref_slice %arg2[%dma_start3A_32, %mul3A_2] : memref<300x4096xf32, #tpu.memory_space<hbm>> -> memref<300x128xf32, #tpu.memory_space<hbm>>
      tpu.enqueue_dma source(%dma_start3A_33 : memref<300x128xf32, #tpu.memory_space<hbm>>) target(%arg5 : memref<300x128xf32, #tpu.memory_space<vmem>>) target_semaphore(%run_scoped3A : memref<!tpu.dma_semaphore, #tpu.memory_space<semaphore_mem>>)
      %dma_wait3A_34 = arith.constant 0 : i32
      %dma_wait3A_35 = tpu.memref_slice %arg2[%dma_wait3A_34, %mul3A_2] : memref<300x4096xf32, #tpu.memory_space<hbm>> -> memref<300x128xf32, #tpu.memory_space<hbm>>
      %dma_wait3A_36 = arith.constant 0 : i32
      %dma_wait3A_37 = tpu.memref_slice %arg2[%dma_wait3A_36, %mul3A_2] : memref<300x4096xf32, #tpu.memory_space<hbm>> -> memref<300x128xf32, #tpu.memory_space<hbm>>
      tpu.wait_dma2 semaphore(%run_scoped3A : memref<!tpu.dma_semaphore, #tpu.memory_space<semaphore_mem>>) src(%dma_wait3A_37 : memref<300x128xf32, #tpu.memory_space<hbm>>) dst(%arg5 : memref<300x128xf32, #tpu.memory_space<vmem>>)
      tpu.yield
    }) : () -> ()
    "tpu.region"() ({
      %run_scoped3A = tpu.sem_alloc : memref<!tpu.dma_semaphore, #tpu.memory_space<semaphore_mem>>
      tpu.enqueue_dma source(%arg3 : memref<13600xf32, #tpu.memory_space<hbm>>) target(%arg6 : memref<13600xf32, #tpu.memory_space<vmem>>) target_semaphore(%run_scoped3A : memref<!tpu.dma_semaphore, #tpu.memory_space<semaphore_mem>>)
      tpu.wait_dma2 semaphore(%run_scoped3A : memref<!tpu.dma_semaphore, #tpu.memory_space<semaphore_mem>>) src(%arg3 : memref<13600xf32, #tpu.memory_space<hbm>>) dst(%arg6 : memref<13600xf32, #tpu.memory_space<vmem>>)
      tpu.yield
    }) : () -> ()
    %scan3A = arith.constant 0 : i32
    %scan3A_3 = arith.constant 0 : i32
    %scan3A_4 = arith.constant 50 : i32
    %scan3A_5 = arith.addi %scan3A_3, %scan3A_4 : i32
    %scan3A_6 = arith.constant 1 : i32
    scf.for %scan3A_31 = %scan3A_3 to %scan3A_5 step %scan3A_6  : i32 {
      %mul3A_32 = arith.constant 2 : i32
      %mul3A_33 = arith.muli %scan3A_31, %mul3A_32 : i32
      %mul3A_34 = arith.constant 2 : i32
      %mul3A_35 = arith.muli %scan3A_31, %mul3A_34 : i32
      %add3A_36 = arith.constant 1 : i32
      %add3A_37 = arith.addi %mul3A_35, %add3A_36 : i32
      %ge3A = arith.constant 1 : i32
      %ge3A_38 = arith.cmpi sge, %scan3A_31, %ge3A : i32
      %convert_element_type3A = arith.extui %ge3A_38 : i1 to i32
      %cond3A = arith.constant 0 : i32
      %cond3A_39 = arith.cmpi ne, %convert_element_type3A, %cond3A : i32
      scf.if %cond3A_39 {
        %sub3A = arith.constant 2 : i32
        %sub3A_91 = arith.subi %mul3A_33, %sub3A : i32
        %mul3A_92 = arith.constant 16 : i32
        %mul3A_93 = arith.muli %sub3A_91, %mul3A_92 : i32
        %mul3A_94 = arith.constant 128 : i32
        %mul3A_95 = arith.muli %add3A, %mul3A_94 : i32
        %dma_wait3A_96 = arith.constant 0 : i32
        %dma_wait3A_97 = arith.constant 0 : i32
        %dma_wait3A_98 = tpu.memref_slice %arg7[%dma_wait3A_96, %dma_wait3A_97] : memref<32x128xf32, #tpu.memory_space<vmem>> -> memref<16x128xf32, #tpu.memory_space<vmem>>
        %dma_wait3A_99 = tpu.memref_slice %arg4[%mul3A_93, %mul3A_95] : memref<1600x4096xf32, #tpu.memory_space<hbm>> -> memref<16x128xf32, #tpu.memory_space<hbm>>
        %dma_wait3A_100 = tpu.memref_slice %arg4[%mul3A_93, %mul3A_95] : memref<1600x4096xf32, #tpu.memory_space<hbm>> -> memref<16x128xf32, #tpu.memory_space<hbm>>
        %dma_wait3A_101 = arith.constant 0 : i32
        %dma_wait3A_102 = arith.constant 0 : i32
        %dma_wait3A_103 = tpu.memref_slice %arg7[%dma_wait3A_101, %dma_wait3A_102] : memref<32x128xf32, #tpu.memory_space<vmem>> -> memref<16x128xf32, #tpu.memory_space<vmem>>
        tpu.wait_dma2 semaphore(%arg8 : memref<!tpu.dma_semaphore, #tpu.memory_space<semaphore_mem>>) src(%dma_wait3A_103 : memref<16x128xf32, #tpu.memory_space<vmem>>) dst(%dma_wait3A_100 : memref<16x128xf32, #tpu.memory_space<hbm>>)
      } else {
      }
      %mul3A_40 = arith.constant 136 : i32
      %mul3A_41 = arith.muli %mul3A_33, %mul3A_40 : i32
      %add3A_42 = arith.constant 119 : i32
      %add3A_43 = arith.addi %mul3A_41, %add3A_42 : i32
      %get3A = arith.index_cast %add3A_43 : i32 to index
      %get3A_44 = tpu.vector_load %arg6[%get3A] {strides = array<i32>} : memref<13600xf32, #tpu.memory_space<vmem>>, vector<16xf32>,
      %scan3A_45 = arith.constant 0 : i32
      %scan3A_46 = arith.constant 0 : i32
      %scan3A_47 = arith.constant 2 : i32
      %scan3A_48 = arith.addi %scan3A_46, %scan3A_47 : i32
      %scan3A_49 = arith.constant 1 : i32
      scf.for %scan3A_91 = %scan3A_46 to %scan3A_48 step %scan3A_49  : i32 {
        %mul3A_92 = arith.constant 64 : i32
        %mul3A_93 = arith.muli %scan3A_91, %mul3A_92 : i32
        %add3A_94 = arith.constant 0 : i32
        %add3A_95 = arith.addi %mul3A_93, %add3A_94 : i32
        %mul3A_96 = arith.constant 64 : i32
        %mul3A_97 = arith.muli %scan3A_91, %mul3A_96 : i32
        %add3A_98 = arith.constant 16 : i32
        %add3A_99 = arith.addi %mul3A_97, %add3A_98 : i32
        %mul3A_100 = arith.constant 64 : i32
        %mul3A_101 = arith.muli %scan3A_91, %mul3A_100 : i32
        %add3A_102 = arith.constant 32 : i32
        %add3A_103 = arith.addi %mul3A_101, %add3A_102 : i32
        %mul3A_104 = arith.constant 64 : i32
        %mul3A_105 = arith.muli %scan3A_91, %mul3A_104 : i32
        %add3A_106 = arith.constant 48 : i32
        %add3A_107 = arith.addi %mul3A_105, %add3A_106 : i32
        %mul3A_108 = arith.constant 3 : i32
        %mul3A_109 = arith.muli %mul3A_108, %mul3A_33 : i32
        %get3A_110 = arith.index_cast %mul3A_109 : i32 to index
        %get3A_111 = arith.index_cast %add3A_95 : i32 to index
        %get3A_112 = tpu.vector_load %arg5[%get3A_110, %get3A_111] {strides = array<i32>} : memref<300x128xf32, #tpu.memory_space<vmem>>, vector<16xf32>,
        %mul3A_113 = arith.constant 3 : i32
        %mul3A_114 = arith.muli %mul3A_113, %mul3A_33 : i32
        %add3A_115 = arith.constant 1 : i32
        %add3A_116 = arith.addi %mul3A_114, %add3A_115 : i32
        %get3A_117 = arith.index_cast %add3A_116 : i32 to index
        %get3A_118 = arith.index_cast %add3A_95 : i32 to index
        %get3A_119 = tpu.vector_load %arg5[%get3A_117, %get3A_118] {strides = array<i32>} : memref<300x128xf32, #tpu.memory_space<vmem>>, vector<16xf32>,
        %mul3A_120 = arith.constant 3 : i32
        %mul3A_121 = arith.muli %mul3A_120, %mul3A_33 : i32
        %add3A_122 = arith.constant 2 : i32
        %add3A_123 = arith.addi %mul3A_121, %add3A_122 : i32
        %get3A_124 = arith.index_cast %add3A_123 : i32 to index
        %get3A_125 = arith.index_cast %add3A_95 : i32 to index
        %get3A_126 = tpu.vector_load %arg5[%get3A_124, %get3A_125] {strides = array<i32>} : memref<300x128xf32, #tpu.memory_space<vmem>>, vector<16xf32>,
        %min3A = arith.minimumf %get3A_112, %get3A_119 : vector<16xf32>
        %min3A_127 = arith.minimumf %min3A, %get3A_126 : vector<16xf32>
        %max3A = arith.maximumf %get3A_112, %get3A_119 : vector<16xf32>
        %max3A_128 = arith.maximumf %max3A, %get3A_126 : vector<16xf32>
        %min3A_129 = arith.minimumf %get3A_112, %get3A_119 : vector<16xf32>
        %max3A_130 = arith.maximumf %get3A_112, %get3A_119 : vector<16xf32>
        %min3A_131 = arith.minimumf %max3A_130, %get3A_126 : vector<16xf32>
        %max3A_132 = arith.maximumf %min3A_129, %min3A_131 : vector<16xf32>
        %le3A = arith.cmpf ole, %get3A_112, %get3A_119 : vector<16xf32>
        %le3A_133 = arith.cmpf ole, %get3A_112, %get3A_126 : vector<16xf32>
        %and3A = arith.andi %le3A, %le3A_133 : vector<16xi1>
        %le3A_134 = arith.cmpf ole, %get3A_119, %get3A_126 : vector<16xf32>
        %jit3A = arith.constant 2 : i32
        %jit3A_135 = arith.constant 4 : i32
        %broadcast_in_dim3A = vector.broadcast %jit3A : i32 to vector<16xi32>
        %broadcast_in_dim3A_136 = vector.broadcast %jit3A_135 : i32 to vector<16xi32>
        %select_n3A = arith.select %le3A_134, %broadcast_in_dim3A, %broadcast_in_dim3A_136 : vector<16xi1>, vector<16xi32>
        %jit3A_137 = arith.constant 1 : i32
        %broadcast_in_dim3A_138 = vector.broadcast %jit3A_137 : i32 to vector<16xi32>
        %select_n3A_139 = arith.select %and3A, %broadcast_in_dim3A_138, %select_n3A : vector<16xi1>, vector<16xi32>
        %ge3A_140 = arith.cmpf oge, %get3A_126, %get3A_112 : vector<16xf32>
        %ge3A_141 = arith.cmpf oge, %get3A_126, %get3A_119 : vector<16xf32>
        %and3A_142 = arith.andi %ge3A_140, %ge3A_141 : vector<16xi1>
        %ge3A_143 = arith.cmpf oge, %get3A_119, %get3A_112 : vector<16xf32>
        %jit3A_144 = arith.constant 2 : i32
        %jit3A_145 = arith.constant 1 : i32
        %broadcast_in_dim3A_146 = vector.broadcast %jit3A_144 : i32 to vector<16xi32>
        %broadcast_in_dim3A_147 = vector.broadcast %jit3A_145 : i32 to vector<16xi32>
        %select_n3A_148 = arith.select %ge3A_143, %broadcast_in_dim3A_146, %broadcast_in_dim3A_147 : vector<16xi1>, vector<16xi32>
        %jit3A_149 = arith.constant 4 : i32
        %broadcast_in_dim3A_150 = vector.broadcast %jit3A_149 : i32 to vector<16xi32>
        %select_n3A_151 = arith.select %and3A_142, %broadcast_in_dim3A_150, %select_n3A_148 : vector<16xi1>, vector<16xi32>
        %sub3A = arith.subf %max3A_132, %min3A_127 : vector<16xf32>
        %sub3A_152 = arith.subf %max3A_128, %max3A_132 : vector<16xf32>
        %add3A_153 = arith.constant 119 : i32
        %add3A_154 = arith.addi %mul3A_41, %add3A_153 : i32
        %mul3A_155 = arith.constant 17 : i32
        %mul3A_156 = vector.broadcast %mul3A_155 : i32 to vector<16xi32>
        %mul3A_157 = arith.muli %select_n3A_139, %mul3A_156 : vector<16xi32>
        %sub3A_158 = vector.broadcast %add3A_154 : i32 to vector<16xi32>
        %sub3A_159 = arith.subi %sub3A_158, %mul3A_157 : vector<16xi32>
        %mul3A_160 = arith.constant 17 : i32
        %mul3A_161 = vector.broadcast %mul3A_160 : i32 to vector<16xi32>
        %mul3A_162 = arith.muli %select_n3A_151, %mul3A_161 : vector<16xi32>
        %add3A_163 = vector.broadcast %mul3A_41 : i32 to vector<16xi32>
        %add3A_164 = arith.addi %add3A_163, %mul3A_162 : vector<16xi32>
        %mul3A_165 = arith.constant 3 : i32
        %mul3A_166 = arith.muli %mul3A_165, %mul3A_33 : i32
        %get3A_167 = arith.index_cast %mul3A_166 : i32 to index
        %get3A_168 = arith.index_cast %add3A_99 : i32 to index
        %get3A_169 = tpu.vector_load %arg5[%get3A_167, %get3A_168] {strides = array<i32>} : memref<300x128xf32, #tpu.memory_space<vmem>>, vector<16xf32>,
        %mul3A_170 = arith.constant 3 : i32
        %mul3A_171 = arith.muli %mul3A_170, %mul3A_33 : i32
        %add3A_172 = arith.constant 1 : i32
        %add3A_173 = arith.addi %mul3A_171, %add3A_172 : i32
        %get3A_174 = arith.index_cast %add3A_173 : i32 to index
        %get3A_175 = arith.index_cast %add3A_99 : i32 to index
        %get3A_176 = tpu.vector_load %arg5[%get3A_174, %get3A_175] {strides = array<i32>} : memref<300x128xf32, #tpu.memory_space<vmem>>, vector<16xf32>,
        %mul3A_177 = arith.constant 3 : i32
        %mul3A_178 = arith.muli %mul3A_177, %mul3A_33 : i32
        %add3A_179 = arith.constant 2 : i32
        %add3A_180 = arith.addi %mul3A_178, %add3A_179 : i32
        %get3A_181 = arith.index_cast %add3A_180 : i32 to index
        %get3A_182 = arith.index_cast %add3A_99 : i32 to index
        %get3A_183 = tpu.vector_load %arg5[%get3A_181, %get3A_182] {strides = array<i32>} : memref<300x128xf32, #tpu.memory_space<vmem>>, vector<16xf32>,
        %min3A_184 = arith.minimumf %get3A_169, %get3A_176 : vector<16xf32>
        %min3A_185 = arith.minimumf %min3A_184, %get3A_183 : vector<16xf32>
        %max3A_186 = arith.maximumf %get3A_169, %get3A_176 : vector<16xf32>
        %max3A_187 = arith.maximumf %max3A_186, %get3A_183 : vector<16xf32>
        %min3A_188 = arith.minimumf %get3A_169, %get3A_176 : vector<16xf32>
        %max3A_189 = arith.maximumf %get3A_169, %get3A_176 : vector<16xf32>
        %min3A_190 = arith.minimumf %max3A_189, %get3A_183 : vector<16xf32>
        %max3A_191 = arith.maximumf %min3A_188, %min3A_190 : vector<16xf32>
        %le3A_192 = arith.cmpf ole, %get3A_169, %get3A_176 : vector<16xf32>
        %le3A_193 = arith.cmpf ole, %get3A_169, %get3A_183 : vector<16xf32>
        %and3A_194 = arith.andi %le3A_192, %le3A_193 : vector<16xi1>
        %le3A_195 = arith.cmpf ole, %get3A_176, %get3A_183 : vector<16xf32>
        %jit3A_196 = arith.constant 2 : i32
        %jit3A_197 = arith.constant 4 : i32
        %broadcast_in_dim3A_198 = vector.broadcast %jit3A_196 : i32 to vector<16xi32>
        %broadcast_in_dim3A_199 = vector.broadcast %jit3A_197 : i32 to vector<16xi32>
        %select_n3A_200 = arith.select %le3A_195, %broadcast_in_dim3A_198, %broadcast_in_dim3A_199 : vector<16xi1>, vector<16xi32>
        %jit3A_201 = arith.constant 1 : i32
        %broadcast_in_dim3A_202 = vector.broadcast %jit3A_201 : i32 to vector<16xi32>
        %select_n3A_203 = arith.select %and3A_194, %broadcast_in_dim3A_202, %select_n3A_200 : vector<16xi1>, vector<16xi32>
        %ge3A_204 = arith.cmpf oge, %get3A_183, %get3A_169 : vector<16xf32>
        %ge3A_205 = arith.cmpf oge, %get3A_183, %get3A_176 : vector<16xf32>
        %and3A_206 = arith.andi %ge3A_204, %ge3A_205 : vector<16xi1>
        %ge3A_207 = arith.cmpf oge, %get3A_176, %get3A_169 : vector<16xf32>
        %jit3A_208 = arith.constant 2 : i32
        %jit3A_209 = arith.constant 1 : i32
        %broadcast_in_dim3A_210 = vector.broadcast %jit3A_208 : i32 to vector<16xi32>
        %broadcast_in_dim3A_211 = vector.broadcast %jit3A_209 : i32 to vector<16xi32>
        %select_n3A_212 = arith.select %ge3A_207, %broadcast_in_dim3A_210, %broadcast_in_dim3A_211 : vector<16xi1>, vector<16xi32>
        %jit3A_213 = arith.constant 4 : i32
        %broadcast_in_dim3A_214 = vector.broadcast %jit3A_213 : i32 to vector<16xi32>
        %select_n3A_215 = arith.select %and3A_206, %broadcast_in_dim3A_214, %select_n3A_212 : vector<16xi1>, vector<16xi32>
        %sub3A_216 = arith.subf %max3A_191, %min3A_185 : vector<16xf32>
        %sub3A_217 = arith.subf %max3A_187, %max3A_191 : vector<16xf32>
        %add3A_218 = arith.constant 119 : i32
        %add3A_219 = arith.addi %mul3A_41, %add3A_218 : i32
        %mul3A_220 = arith.constant 17 : i32
        %mul3A_221 = vector.broadcast %mul3A_220 : i32 to vector<16xi32>
        %mul3A_222 = arith.muli %select_n3A_203, %mul3A_221 : vector<16xi32>
        %sub3A_223 = vector.broadcast %add3A_219 : i32 to vector<16xi32>
        %sub3A_224 = arith.subi %sub3A_223, %mul3A_222 : vector<16xi32>
        %mul3A_225 = arith.constant 17 : i32
        %mul3A_226 = vector.broadcast %mul3A_225 : i32 to vector<16xi32>
        %mul3A_227 = arith.muli %select_n3A_215, %mul3A_226 : vector<16xi32>
        %add3A_228 = vector.broadcast %mul3A_41 : i32 to vector<16xi32>
        %add3A_229 = arith.addi %add3A_228, %mul3A_227 : vector<16xi32>
        %mul3A_230 = arith.constant 3 : i32
        %mul3A_231 = arith.muli %mul3A_230, %mul3A_33 : i32
        %get3A_232 = arith.index_cast %mul3A_231 : i32 to index
        %get3A_233 = arith.index_cast %add3A_103 : i32 to index
        %get3A_234 = tpu.vector_load %arg5[%get3A_232, %get3A_233] {strides = array<i32>} : memref<300x128xf32, #tpu.memory_space<vmem>>, vector<16xf32>,
        %mul3A_235 = arith.constant 3 : i32
        %mul3A_236 = arith.muli %mul3A_235, %mul3A_33 : i32
        %add3A_237 = arith.constant 1 : i32
        %add3A_238 = arith.addi %mul3A_236, %add3A_237 : i32
        %get3A_239 = arith.index_cast %add3A_238 : i32 to index
        %get3A_240 = arith.index_cast %add3A_103 : i32 to index
        %get3A_241 = tpu.vector_load %arg5[%get3A_239, %get3A_240] {strides = array<i32>} : memref<300x128xf32, #tpu.memory_space<vmem>>, vector<16xf32>,
        %mul3A_242 = arith.constant 3 : i32
        %mul3A_243 = arith.muli %mul3A_242, %mul3A_33 : i32
        %add3A_244 = arith.constant 2 : i32
        %add3A_245 = arith.addi %mul3A_243, %add3A_244 : i32
        %get3A_246 = arith.index_cast %add3A_245 : i32 to index
        %get3A_247 = arith.index_cast %add3A_103 : i32 to index
        %get3A_248 = tpu.vector_load %arg5[%get3A_246, %get3A_247] {strides = array<i32>} : memref<300x128xf32, #tpu.memory_space<vmem>>, vector<16xf32>,
        %min3A_249 = arith.minimumf %get3A_234, %get3A_241 : vector<16xf32>
        %min3A_250 = arith.minimumf %min3A_249, %get3A_248 : vector<16xf32>
        %max3A_251 = arith.maximumf %get3A_234, %get3A_241 : vector<16xf32>
        %max3A_252 = arith.maximumf %max3A_251, %get3A_248 : vector<16xf32>
        %min3A_253 = arith.minimumf %get3A_234, %get3A_241 : vector<16xf32>
        %max3A_254 = arith.maximumf %get3A_234, %get3A_241 : vector<16xf32>
        %min3A_255 = arith.minimumf %max3A_254, %get3A_248 : vector<16xf32>
        %max3A_256 = arith.maximumf %min3A_253, %min3A_255 : vector<16xf32>
        %le3A_257 = arith.cmpf ole, %get3A_234, %get3A_241 : vector<16xf32>
        %le3A_258 = arith.cmpf ole, %get3A_234, %get3A_248 : vector<16xf32>
        %and3A_259 = arith.andi %le3A_257, %le3A_258 : vector<16xi1>
        %le3A_260 = arith.cmpf ole, %get3A_241, %get3A_248 : vector<16xf32>
        %jit3A_261 = arith.constant 2 : i32
        %jit3A_262 = arith.constant 4 : i32
        %broadcast_in_dim3A_263 = vector.broadcast %jit3A_261 : i32 to vector<16xi32>
        %broadcast_in_dim3A_264 = vector.broadcast %jit3A_262 : i32 to vector<16xi32>
        %select_n3A_265 = arith.select %le3A_260, %broadcast_in_dim3A_263, %broadcast_in_dim3A_264 : vector<16xi1>, vector<16xi32>
        %jit3A_266 = arith.constant 1 : i32
        %broadcast_in_dim3A_267 = vector.broadcast %jit3A_266 : i32 to vector<16xi32>
        %select_n3A_268 = arith.select %and3A_259, %broadcast_in_dim3A_267, %select_n3A_265 : vector<16xi1>, vector<16xi32>
        %ge3A_269 = arith.cmpf oge, %get3A_248, %get3A_234 : vector<16xf32>
        %ge3A_270 = arith.cmpf oge, %get3A_248, %get3A_241 : vector<16xf32>
        %and3A_271 = arith.andi %ge3A_269, %ge3A_270 : vector<16xi1>
        %ge3A_272 = arith.cmpf oge, %get3A_241, %get3A_234 : vector<16xf32>
        %jit3A_273 = arith.constant 2 : i32
        %jit3A_274 = arith.constant 1 : i32
        %broadcast_in_dim3A_275 = vector.broadcast %jit3A_273 : i32 to vector<16xi32>
        %broadcast_in_dim3A_276 = vector.broadcast %jit3A_274 : i32 to vector<16xi32>
        %select_n3A_277 = arith.select %ge3A_272, %broadcast_in_dim3A_275, %broadcast_in_dim3A_276 : vector<16xi1>, vector<16xi32>
        %jit3A_278 = arith.constant 4 : i32
        %broadcast_in_dim3A_279 = vector.broadcast %jit3A_278 : i32 to vector<16xi32>
        %select_n3A_280 = arith.select %and3A_271, %broadcast_in_dim3A_279, %select_n3A_277 : vector<16xi1>, vector<16xi32>
        %sub3A_281 = arith.subf %max3A_256, %min3A_250 : vector<16xf32>
        %sub3A_282 = arith.subf %max3A_252, %max3A_256 : vector<16xf32>
        %add3A_283 = arith.constant 119 : i32
        %add3A_284 = arith.addi %mul3A_41, %add3A_283 : i32
        %mul3A_285 = arith.constant 17 : i32
        %mul3A_286 = vector.broadcast %mul3A_285 : i32 to vector<16xi32>
        %mul3A_287 = arith.muli %select_n3A_268, %mul3A_286 : vector<16xi32>
        %sub3A_288 = vector.broadcast %add3A_284 : i32 to vector<16xi32>
        %sub3A_289 = arith.subi %sub3A_288, %mul3A_287 : vector<16xi32>
        %mul3A_290 = arith.constant 17 : i32
        %mul3A_291 = vector.broadcast %mul3A_290 : i32 to vector<16xi32>
        %mul3A_292 = arith.muli %select_n3A_280, %mul3A_291 : vector<16xi32>
        %add3A_293 = vector.broadcast %mul3A_41 : i32 to vector<16xi32>
        %add3A_294 = arith.addi %add3A_293, %mul3A_292 : vector<16xi32>
        %mul3A_295 = arith.constant 3 : i32
        %mul3A_296 = arith.muli %mul3A_295, %mul3A_33 : i32
        %get3A_297 = arith.index_cast %mul3A_296 : i32 to index
        %get3A_298 = arith.index_cast %add3A_107 : i32 to index
        %get3A_299 = tpu.vector_load %arg5[%get3A_297, %get3A_298] {strides = array<i32>} : memref<300x128xf32, #tpu.memory_space<vmem>>, vector<16xf32>,
        %mul3A_300 = arith.constant 3 : i32
        %mul3A_301 = arith.muli %mul3A_300, %mul3A_33 : i32
        %add3A_302 = arith.constant 1 : i32
        %add3A_303 = arith.addi %mul3A_301, %add3A_302 : i32
        %get3A_304 = arith.index_cast %add3A_303 : i32 to index
        %get3A_305 = arith.index_cast %add3A_107 : i32 to index
        %get3A_306 = tpu.vector_load %arg5[%get3A_304, %get3A_305] {strides = array<i32>} : memref<300x128xf32, #tpu.memory_space<vmem>>, vector<16xf32>,
        %mul3A_307 = arith.constant 3 : i32
        %mul3A_308 = arith.muli %mul3A_307, %mul3A_33 : i32
        %add3A_309 = arith.constant 2 : i32
        %add3A_310 = arith.addi %mul3A_308, %add3A_309 : i32
        %get3A_311 = arith.index_cast %add3A_310 : i32 to index
        %get3A_312 = arith.index_cast %add3A_107 : i32 to index
        %get3A_313 = tpu.vector_load %arg5[%get3A_311, %get3A_312] {strides = array<i32>} : memref<300x128xf32, #tpu.memory_space<vmem>>, vector<16xf32>,
        %min3A_314 = arith.minimumf %get3A_299, %get3A_306 : vector<16xf32>
        %min3A_315 = arith.minimumf %min3A_314, %get3A_313 : vector<16xf32>
        %max3A_316 = arith.maximumf %get3A_299, %get3A_306 : vector<16xf32>
        %max3A_317 = arith.maximumf %max3A_316, %get3A_313 : vector<16xf32>
        %min3A_318 = arith.minimumf %get3A_299, %get3A_306 : vector<16xf32>
        %max3A_319 = arith.maximumf %get3A_299, %get3A_306 : vector<16xf32>
        %min3A_320 = arith.minimumf %max3A_319, %get3A_313 : vector<16xf32>
        %max3A_321 = arith.maximumf %min3A_318, %min3A_320 : vector<16xf32>
        %le3A_322 = arith.cmpf ole, %get3A_299, %get3A_306 : vector<16xf32>
        %le3A_323 = arith.cmpf ole, %get3A_299, %get3A_313 : vector<16xf32>
        %and3A_324 = arith.andi %le3A_322, %le3A_323 : vector<16xi1>
        %le3A_325 = arith.cmpf ole, %get3A_306, %get3A_313 : vector<16xf32>
        %jit3A_326 = arith.constant 2 : i32
        %jit3A_327 = arith.constant 4 : i32
        %broadcast_in_dim3A_328 = vector.broadcast %jit3A_326 : i32 to vector<16xi32>
        %broadcast_in_dim3A_329 = vector.broadcast %jit3A_327 : i32 to vector<16xi32>
        %select_n3A_330 = arith.select %le3A_325, %broadcast_in_dim3A_328, %broadcast_in_dim3A_329 : vector<16xi1>, vector<16xi32>
        %jit3A_331 = arith.constant 1 : i32
        %broadcast_in_dim3A_332 = vector.broadcast %jit3A_331 : i32 to vector<16xi32>
        %select_n3A_333 = arith.select %and3A_324, %broadcast_in_dim3A_332, %select_n3A_330 : vector<16xi1>, vector<16xi32>
        %ge3A_334 = arith.cmpf oge, %get3A_313, %get3A_299 : vector<16xf32>
        %ge3A_335 = arith.cmpf oge, %get3A_313, %get3A_306 : vector<16xf32>
        %and3A_336 = arith.andi %ge3A_334, %ge3A_335 : vector<16xi1>
        %ge3A_337 = arith.cmpf oge, %get3A_306, %get3A_299 : vector<16xf32>
        %jit3A_338 = arith.constant 2 : i32
        %jit3A_339 = arith.constant 1 : i32
        %broadcast_in_dim3A_340 = vector.broadcast %jit3A_338 : i32 to vector<16xi32>
        %broadcast_in_dim3A_341 = vector.broadcast %jit3A_339 : i32 to vector<16xi32>
        %select_n3A_342 = arith.select %ge3A_337, %broadcast_in_dim3A_340, %broadcast_in_dim3A_341 : vector<16xi1>, vector<16xi32>
        %jit3A_343 = arith.constant 4 : i32
        %broadcast_in_dim3A_344 = vector.broadcast %jit3A_343 : i32 to vector<16xi32>
        %select_n3A_345 = arith.select %and3A_336, %broadcast_in_dim3A_344, %select_n3A_342 : vector<16xi1>, vector<16xi32>
        %sub3A_346 = arith.subf %max3A_321, %min3A_315 : vector<16xf32>
        %sub3A_347 = arith.subf %max3A_317, %max3A_321 : vector<16xf32>
        %add3A_348 = arith.constant 119 : i32
        %add3A_349 = arith.addi %mul3A_41, %add3A_348 : i32
        %mul3A_350 = arith.constant 17 : i32
        %mul3A_351 = vector.broadcast %mul3A_350 : i32 to vector<16xi32>
        %mul3A_352 = arith.muli %select_n3A_333, %mul3A_351 : vector<16xi32>
        %sub3A_353 = vector.broadcast %add3A_349 : i32 to vector<16xi32>
        %sub3A_354 = arith.subi %sub3A_353, %mul3A_352 : vector<16xi32>
        %mul3A_355 = arith.constant 17 : i32
        %mul3A_356 = vector.broadcast %mul3A_355 : i32 to vector<16xi32>
        %mul3A_357 = arith.muli %select_n3A_345, %mul3A_356 : vector<16xi32>
        %add3A_358 = vector.broadcast %mul3A_41 : i32 to vector<16xi32>
        %add3A_359 = arith.addi %add3A_358, %mul3A_357 : vector<16xi32>
        %parallel_loop3A = arith.constant 0 : i32
        %parallel_loop3A_360 = arith.constant 16 : i32
        %parallel_loop3A_361 = arith.constant 1 : i32
        scf.for %parallel_loop3A_362 = %parallel_loop3A to %parallel_loop3A_360 step %parallel_loop3A_361  : i32 {
          %parallel_loop3A_363 = arith.constant 0 : i32
          %parallel_loop3A_364 = vector.broadcast %parallel_loop3A_363 : i32 to vector<16x1xi32>
          %parallel_loop3A_365 = vector.broadcast %parallel_loop3A_362 : i32 to vector<16x1xi32>
          %parallel_loop3A_366 = arith.addi %parallel_loop3A_364, %parallel_loop3A_365 : vector<16x1xi32>
          %parallel_loop3A_367 = vector.shape_cast %parallel_loop3A_366 : vector<16x1xi32> to vector<16xi32>
          %parallel_loop3A_368 = tpu.dynamic_gather %get3A_44[%parallel_loop3A_367] in [0] : vector<16xf32>, vector<16xi32> -> vector<16xf32>
          %parallel_loop3A_369 = vector.broadcast %parallel_loop3A_362 : i32 to vector<16xi32>
          %parallel_loop3A_370 = arith.addi %sub3A_159, %parallel_loop3A_369 : vector<16xi32>
          %parallel_loop3A_371 = tpu.vector_load_idx %arg6[%parallel_loop3A_370] : memref<13600xf32, #tpu.memory_space<vmem>>[vector<16xi32>], vector<16xf32>,
          %parallel_loop3A_372 = vector.broadcast %parallel_loop3A_362 : i32 to vector<16xi32>
          %parallel_loop3A_373 = arith.addi %add3A_164, %parallel_loop3A_372 : vector<16xi32>
          %parallel_loop3A_374 = tpu.vector_load_idx %arg6[%parallel_loop3A_373] : memref<13600xf32, #tpu.memory_space<vmem>>[vector<16xi32>], vector<16xf32>,
          %parallel_loop3A_375 = arith.mulf %min3A_127, %parallel_loop3A_368 : vector<16xf32>
          %parallel_loop3A_376 = arith.mulf %sub3A, %parallel_loop3A_371 : vector<16xf32>
          %parallel_loop3A_377 = arith.addf %parallel_loop3A_375, %parallel_loop3A_376 : vector<16xf32>
          %parallel_loop3A_378 = arith.mulf %sub3A_152, %parallel_loop3A_374 : vector<16xf32>
          %parallel_loop3A_379 = arith.addf %parallel_loop3A_377, %parallel_loop3A_378 : vector<16xf32>
          %parallel_loop3A_380 = arith.constant 0 : i32
          %parallel_loop3A_381 = arith.addi %parallel_loop3A_380, %parallel_loop3A_362 : i32
          %parallel_loop3A_382 = arith.index_cast %parallel_loop3A_381 : i32 to index
          %parallel_loop3A_383 = arith.index_cast %add3A_95 : i32 to index
          %parallel_loop3A_384 = tpu.vector_load %arg7[%parallel_loop3A_382, %parallel_loop3A_383] {strides = array<i32>} : memref<32x128xf32, #tpu.memory_space<vmem>>, vector<16xf32>,
          tpu.vector_store %arg7[%parallel_loop3A_382, %parallel_loop3A_383], %parallel_loop3A_379 {strides = array<i32>} : memref<32x128xf32, #tpu.memory_space<vmem>>, vector<16xf32>,
          %parallel_loop3A_385 = vector.broadcast %parallel_loop3A_362 : i32 to vector<16xi32>
          %parallel_loop3A_386 = arith.addi %sub3A_224, %parallel_loop3A_385 : vector<16xi32>
          %parallel_loop3A_387 = tpu.vector_load_idx %arg6[%parallel_loop3A_386] : memref<13600xf32, #tpu.memory_space<vmem>>[vector<16xi32>], vector<16xf32>,
          %parallel_loop3A_388 = vector.broadcast %parallel_loop3A_362 : i32 to vector<16xi32>
          %parallel_loop3A_389 = arith.addi %add3A_229, %parallel_loop3A_388 : vector<16xi32>
          %parallel_loop3A_390 = tpu.vector_load_idx %arg6[%parallel_loop3A_389] : memref<13600xf32, #tpu.memory_space<vmem>>[vector<16xi32>], vector<16xf32>,
          %parallel_loop3A_391 = arith.mulf %min3A_185, %parallel_loop3A_368 : vector<16xf32>
          %parallel_loop3A_392 = arith.mulf %sub3A_216, %parallel_loop3A_387 : vector<16xf32>
          %parallel_loop3A_393 = arith.addf %parallel_loop3A_391, %parallel_loop3A_392 : vector<16xf32>
          %parallel_loop3A_394 = arith.mulf %sub3A_217, %parallel_loop3A_390 : vector<16xf32>
          %parallel_loop3A_395 = arith.addf %parallel_loop3A_393, %parallel_loop3A_394 : vector<16xf32>
          %parallel_loop3A_396 = arith.constant 0 : i32
          %parallel_loop3A_397 = arith.addi %parallel_loop3A_396, %parallel_loop3A_362 : i32
          %parallel_loop3A_398 = arith.index_cast %parallel_loop3A_397 : i32 to index
          %parallel_loop3A_399 = arith.index_cast %add3A_99 : i32 to index
          %parallel_loop3A_400 = tpu.vector_load %arg7[%parallel_loop3A_398, %parallel_loop3A_399] {strides = array<i32>} : memref<32x128xf32, #tpu.memory_space<vmem>>, vector<16xf32>,
          tpu.vector_store %arg7[%parallel_loop3A_398, %parallel_loop3A_399], %parallel_loop3A_395 {strides = array<i32>} : memref<32x128xf32, #tpu.memory_space<vmem>>, vector<16xf32>,
          %parallel_loop3A_401 = vector.broadcast %parallel_loop3A_362 : i32 to vector<16xi32>
          %parallel_loop3A_402 = arith.addi %sub3A_289, %parallel_loop3A_401 : vector<16xi32>
          %parallel_loop3A_403 = tpu.vector_load_idx %arg6[%parallel_loop3A_402] : memref<13600xf32, #tpu.memory_space<vmem>>[vector<16xi32>], vector<16xf32>,
          %parallel_loop3A_404 = vector.broadcast %parallel_loop3A_362 : i32 to vector<16xi32>
          %parallel_loop3A_405 = arith.addi %add3A_294, %parallel_loop3A_404 : vector<16xi32>
          %parallel_loop3A_406 = tpu.vector_load_idx %arg6[%parallel_loop3A_405] : memref<13600xf32, #tpu.memory_space<vmem>>[vector<16xi32>], vector<16xf32>,
          %parallel_loop3A_407 = arith.mulf %min3A_250, %parallel_loop3A_368 : vector<16xf32>
          %parallel_loop3A_408 = arith.mulf %sub3A_281, %parallel_loop3A_403 : vector<16xf32>
          %parallel_loop3A_409 = arith.addf %parallel_loop3A_407, %parallel_loop3A_408 : vector<16xf32>
          %parallel_loop3A_410 = arith.mulf %sub3A_282, %parallel_loop3A_406 : vector<16xf32>
          %parallel_loop3A_411 = arith.addf %parallel_loop3A_409, %parallel_loop3A_410 : vector<16xf32>
          %parallel_loop3A_412 = arith.constant 0 : i32
          %parallel_loop3A_413 = arith.addi %parallel_loop3A_412, %parallel_loop3A_362 : i32
          %parallel_loop3A_414 = arith.index_cast %parallel_loop3A_413 : i32 to index
          %parallel_loop3A_415 = arith.index_cast %add3A_103 : i32 to index
          %parallel_loop3A_416 = tpu.vector_load %arg7[%parallel_loop3A_414, %parallel_loop3A_415] {strides = array<i32>} : memref<32x128xf32, #tpu.memory_space<vmem>>, vector<16xf32>,
          tpu.vector_store %arg7[%parallel_loop3A_414, %parallel_loop3A_415], %parallel_loop3A_411 {strides = array<i32>} : memref<32x128xf32, #tpu.memory_space<vmem>>, vector<16xf32>,
          %parallel_loop3A_417 = vector.broadcast %parallel_loop3A_362 : i32 to vector<16xi32>
          %parallel_loop3A_418 = arith.addi %sub3A_354, %parallel_loop3A_417 : vector<16xi32>
          %parallel_loop3A_419 = tpu.vector_load_idx %arg6[%parallel_loop3A_418] : memref<13600xf32, #tpu.memory_space<vmem>>[vector<16xi32>], vector<16xf32>,
          %parallel_loop3A_420 = vector.broadcast %parallel_loop3A_362 : i32 to vector<16xi32>
          %parallel_loop3A_421 = arith.addi %add3A_359, %parallel_loop3A_420 : vector<16xi32>
          %parallel_loop3A_422 = tpu.vector_load_idx %arg6[%parallel_loop3A_421] : memref<13600xf32, #tpu.memory_space<vmem>>[vector<16xi32>], vector<16xf32>,
          %parallel_loop3A_423 = arith.mulf %min3A_315, %parallel_loop3A_368 : vector<16xf32>
          %parallel_loop3A_424 = arith.mulf %sub3A_346, %parallel_loop3A_419 : vector<16xf32>
          %parallel_loop3A_425 = arith.addf %parallel_loop3A_423, %parallel_loop3A_424 : vector<16xf32>
          %parallel_loop3A_426 = arith.mulf %sub3A_347, %parallel_loop3A_422 : vector<16xf32>
          %parallel_loop3A_427 = arith.addf %parallel_loop3A_425, %parallel_loop3A_426 : vector<16xf32>
          %parallel_loop3A_428 = arith.constant 0 : i32
          %parallel_loop3A_429 = arith.addi %parallel_loop3A_428, %parallel_loop3A_362 : i32
          %parallel_loop3A_430 = arith.index_cast %parallel_loop3A_429 : i32 to index
          %parallel_loop3A_431 = arith.index_cast %add3A_107 : i32 to index
          %parallel_loop3A_432 = tpu.vector_load %arg7[%parallel_loop3A_430, %parallel_loop3A_431] {strides = array<i32>} : memref<32x128xf32, #tpu.memory_space<vmem>>, vector<16xf32>,
          tpu.vector_store %arg7[%parallel_loop3A_430, %parallel_loop3A_431], %parallel_loop3A_427 {strides = array<i32>} : memref<32x128xf32, #tpu.memory_space<vmem>>, vector<16xf32>,
        } {sc.loop_unroll_factor = 2 : i64, sc.parallel_access}
      }
      %scan3A_50 = arith.constant 2 : i32
      %mul3A_51 = arith.constant 16 : i32
      %mul3A_52 = arith.muli %mul3A_33, %mul3A_51 : i32
      %mul3A_53 = arith.constant 128 : i32
      %mul3A_54 = arith.muli %add3A, %mul3A_53 : i32
      %dma_start3A = arith.constant 0 : i32
      %dma_start3A_55 = arith.constant 0 : i32
      %dma_start3A_56 = tpu.memref_slice %arg7[%dma_start3A, %dma_start3A_55] : memref<32x128xf32, #tpu.memory_space<vmem>> -> memref<16x128xf32, #tpu.memory_space<vmem>>
      %dma_start3A_57 = tpu.memref_slice %arg4[%mul3A_52, %mul3A_54] : memref<1600x4096xf32, #tpu.memory_space<hbm>> -> memref<16x128xf32, #tpu.memory_space<hbm>>
      %dma_start3A_58 = tpu.memref_slice %arg4[%mul3A_52, %mul3A_54] : memref<1600x4096xf32, #tpu.memory_space<hbm>> -> memref<16x128xf32, #tpu.memory_space<hbm>>
      %dma_start3A_59 = arith.constant 0 : i32
      %dma_start3A_60 = arith.constant 0 : i32
      %dma_start3A_61 = tpu.memref_slice %arg7[%dma_start3A_59, %dma_start3A_60] : memref<32x128xf32, #tpu.memory_space<vmem>> -> memref<16x128xf32, #tpu.memory_space<vmem>>
      tpu.enqueue_dma source(%dma_start3A_61 : memref<16x128xf32, #tpu.memory_space<vmem>>) target(%dma_start3A_58 : memref<16x128xf32, #tpu.memory_space<hbm>>) target_semaphore(%arg8 : memref<!tpu.dma_semaphore, #tpu.memory_space<semaphore_mem>>)
      %ge3A_62 = arith.constant 1 : i32
      %ge3A_63 = arith.cmpi sge, %scan3A_31, %ge3A_62 : i32
      %convert_element_type3A_64 = arith.extui %ge3A_63 : i1 to i32
      %cond3A_65 = arith.constant 0 : i32
      %cond3A_66 = arith.cmpi ne, %convert_element_type3A_64, %cond3A_65 : i32
      scf.if %cond3A_66 {
        %sub3A = arith.constant 2 : i32
        %sub3A_91 = arith.subi %add3A_37, %sub3A : i32
        %mul3A_92 = arith.constant 16 : i32
        %mul3A_93 = arith.muli %sub3A_91, %mul3A_92 : i32
        %mul3A_94 = arith.constant 128 : i32
        %mul3A_95 = arith.muli %add3A, %mul3A_94 : i32
        %dma_wait3A_96 = arith.constant 16 : i32
        %dma_wait3A_97 = arith.constant 0 : i32
        %dma_wait3A_98 = tpu.memref_slice %arg7[%dma_wait3A_96, %dma_wait3A_97] : memref<32x128xf32, #tpu.memory_space<vmem>> -> memref<16x128xf32, #tpu.memory_space<vmem>>
        %dma_wait3A_99 = tpu.memref_slice %arg4[%mul3A_93, %mul3A_95] : memref<1600x4096xf32, #tpu.memory_space<hbm>> -> memref<16x128xf32, #tpu.memory_space<hbm>>
        %dma_wait3A_100 = tpu.memref_slice %arg4[%mul3A_93, %mul3A_95] : memref<1600x4096xf32, #tpu.memory_space<hbm>> -> memref<16x128xf32, #tpu.memory_space<hbm>>
        %dma_wait3A_101 = arith.constant 16 : i32
        %dma_wait3A_102 = arith.constant 0 : i32
        %dma_wait3A_103 = tpu.memref_slice %arg7[%dma_wait3A_101, %dma_wait3A_102] : memref<32x128xf32, #tpu.memory_space<vmem>> -> memref<16x128xf32, #tpu.memory_space<vmem>>
        tpu.wait_dma2 semaphore(%arg9 : memref<!tpu.dma_semaphore, #tpu.memory_space<semaphore_mem>>) src(%dma_wait3A_103 : memref<16x128xf32, #tpu.memory_space<vmem>>) dst(%dma_wait3A_100 : memref<16x128xf32, #tpu.memory_space<hbm>>)
      } else {
      }
      %mul3A_67 = arith.constant 136 : i32
      %mul3A_68 = arith.muli %add3A_37, %mul3A_67 : i32
      %add3A_69 = arith.constant 119 : i32
      %add3A_70 = arith.addi %mul3A_68, %add3A_69 : i32
      %get3A_71 = arith.index_cast %add3A_70 : i32 to index
      %get3A_72 = tpu.vector_load %arg6[%get3A_71] {strides = array<i32>} : memref<13600xf32, #tpu.memory_space<vmem>>, vector<16xf32>,
      %scan3A_73 = arith.constant 0 : i32
      %scan3A_74 = arith.constant 0 : i32
      %scan3A_75 = arith.constant 2 : i32
      %scan3A_76 = arith.addi %scan3A_74, %scan3A_75 : i32
      %scan3A_77 = arith.constant 1 : i32
      scf.for %scan3A_91 = %scan3A_74 to %scan3A_76 step %scan3A_77  : i32 {
        %mul3A_92 = arith.constant 64 : i32
        %mul3A_93 = arith.muli %scan3A_91, %mul3A_92 : i32
        %add3A_94 = arith.constant 0 : i32
        %add3A_95 = arith.addi %mul3A_93, %add3A_94 : i32
        %mul3A_96 = arith.constant 64 : i32
        %mul3A_97 = arith.muli %scan3A_91, %mul3A_96 : i32
        %add3A_98 = arith.constant 16 : i32
        %add3A_99 = arith.addi %mul3A_97, %add3A_98 : i32
        %mul3A_100 = arith.constant 64 : i32
        %mul3A_101 = arith.muli %scan3A_91, %mul3A_100 : i32
        %add3A_102 = arith.constant 32 : i32
        %add3A_103 = arith.addi %mul3A_101, %add3A_102 : i32
        %mul3A_104 = arith.constant 64 : i32
        %mul3A_105 = arith.muli %scan3A_91, %mul3A_104 : i32
        %add3A_106 = arith.constant 48 : i32
        %add3A_107 = arith.addi %mul3A_105, %add3A_106 : i32
        %mul3A_108 = arith.constant 3 : i32
        %mul3A_109 = arith.muli %mul3A_108, %add3A_37 : i32
        %get3A_110 = arith.index_cast %mul3A_109 : i32 to index
        %get3A_111 = arith.index_cast %add3A_95 : i32 to index
        %get3A_112 = tpu.vector_load %arg5[%get3A_110, %get3A_111] {strides = array<i32>} : memref<300x128xf32, #tpu.memory_space<vmem>>, vector<16xf32>,
        %mul3A_113 = arith.constant 3 : i32
        %mul3A_114 = arith.muli %mul3A_113, %add3A_37 : i32
        %add3A_115 = arith.constant 1 : i32
        %add3A_116 = arith.addi %mul3A_114, %add3A_115 : i32
        %get3A_117 = arith.index_cast %add3A_116 : i32 to index
        %get3A_118 = arith.index_cast %add3A_95 : i32 to index
        %get3A_119 = tpu.vector_load %arg5[%get3A_117, %get3A_118] {strides = array<i32>} : memref<300x128xf32, #tpu.memory_space<vmem>>, vector<16xf32>,
        %mul3A_120 = arith.constant 3 : i32
        %mul3A_121 = arith.muli %mul3A_120, %add3A_37 : i32
        %add3A_122 = arith.constant 2 : i32
        %add3A_123 = arith.addi %mul3A_121, %add3A_122 : i32
        %get3A_124 = arith.index_cast %add3A_123 : i32 to index
        %get3A_125 = arith.index_cast %add3A_95 : i32 to index
        %get3A_126 = tpu.vector_load %arg5[%get3A_124, %get3A_125] {strides = array<i32>} : memref<300x128xf32, #tpu.memory_space<vmem>>, vector<16xf32>,
        %min3A = arith.minimumf %get3A_112, %get3A_119 : vector<16xf32>
        %min3A_127 = arith.minimumf %min3A, %get3A_126 : vector<16xf32>
        %max3A = arith.maximumf %get3A_112, %get3A_119 : vector<16xf32>
        %max3A_128 = arith.maximumf %max3A, %get3A_126 : vector<16xf32>
        %min3A_129 = arith.minimumf %get3A_112, %get3A_119 : vector<16xf32>
        %max3A_130 = arith.maximumf %get3A_112, %get3A_119 : vector<16xf32>
        %min3A_131 = arith.minimumf %max3A_130, %get3A_126 : vector<16xf32>
        %max3A_132 = arith.maximumf %min3A_129, %min3A_131 : vector<16xf32>
        %le3A = arith.cmpf ole, %get3A_112, %get3A_119 : vector<16xf32>
        %le3A_133 = arith.cmpf ole, %get3A_112, %get3A_126 : vector<16xf32>
        %and3A = arith.andi %le3A, %le3A_133 : vector<16xi1>
        %le3A_134 = arith.cmpf ole, %get3A_119, %get3A_126 : vector<16xf32>
        %jit3A = arith.constant 2 : i32
        %jit3A_135 = arith.constant 4 : i32
        %broadcast_in_dim3A = vector.broadcast %jit3A : i32 to vector<16xi32>
        %broadcast_in_dim3A_136 = vector.broadcast %jit3A_135 : i32 to vector<16xi32>
        %select_n3A = arith.select %le3A_134, %broadcast_in_dim3A, %broadcast_in_dim3A_136 : vector<16xi1>, vector<16xi32>
        %jit3A_137 = arith.constant 1 : i32
        %broadcast_in_dim3A_138 = vector.broadcast %jit3A_137 : i32 to vector<16xi32>
        %select_n3A_139 = arith.select %and3A, %broadcast_in_dim3A_138, %select_n3A : vector<16xi1>, vector<16xi32>
        %ge3A_140 = arith.cmpf oge, %get3A_126, %get3A_112 : vector<16xf32>
        %ge3A_141 = arith.cmpf oge, %get3A_126, %get3A_119 : vector<16xf32>
        %and3A_142 = arith.andi %ge3A_140, %ge3A_141 : vector<16xi1>
        %ge3A_143 = arith.cmpf oge, %get3A_119, %get3A_112 : vector<16xf32>
        %jit3A_144 = arith.constant 2 : i32
        %jit3A_145 = arith.constant 1 : i32
        %broadcast_in_dim3A_146 = vector.broadcast %jit3A_144 : i32 to vector<16xi32>
        %broadcast_in_dim3A_147 = vector.broadcast %jit3A_145 : i32 to vector<16xi32>
        %select_n3A_148 = arith.select %ge3A_143, %broadcast_in_dim3A_146, %broadcast_in_dim3A_147 : vector<16xi1>, vector<16xi32>
        %jit3A_149 = arith.constant 4 : i32
        %broadcast_in_dim3A_150 = vector.broadcast %jit3A_149 : i32 to vector<16xi32>
        %select_n3A_151 = arith.select %and3A_142, %broadcast_in_dim3A_150, %select_n3A_148 : vector<16xi1>, vector<16xi32>
        %sub3A = arith.subf %max3A_132, %min3A_127 : vector<16xf32>
        %sub3A_152 = arith.subf %max3A_128, %max3A_132 : vector<16xf32>
        %add3A_153 = arith.constant 119 : i32
        %add3A_154 = arith.addi %mul3A_68, %add3A_153 : i32
        %mul3A_155 = arith.constant 17 : i32
        %mul3A_156 = vector.broadcast %mul3A_155 : i32 to vector<16xi32>
        %mul3A_157 = arith.muli %select_n3A_139, %mul3A_156 : vector<16xi32>
        %sub3A_158 = vector.broadcast %add3A_154 : i32 to vector<16xi32>
        %sub3A_159 = arith.subi %sub3A_158, %mul3A_157 : vector<16xi32>
        %mul3A_160 = arith.constant 17 : i32
        %mul3A_161 = vector.broadcast %mul3A_160 : i32 to vector<16xi32>
        %mul3A_162 = arith.muli %select_n3A_151, %mul3A_161 : vector<16xi32>
        %add3A_163 = vector.broadcast %mul3A_68 : i32 to vector<16xi32>
        %add3A_164 = arith.addi %add3A_163, %mul3A_162 : vector<16xi32>
        %mul3A_165 = arith.constant 3 : i32
        %mul3A_166 = arith.muli %mul3A_165, %add3A_37 : i32
        %get3A_167 = arith.index_cast %mul3A_166 : i32 to index
        %get3A_168 = arith.index_cast %add3A_99 : i32 to index
        %get3A_169 = tpu.vector_load %arg5[%get3A_167, %get3A_168] {strides = array<i32>} : memref<300x128xf32, #tpu.memory_space<vmem>>, vector<16xf32>,
        %mul3A_170 = arith.constant 3 : i32
        %mul3A_171 = arith.muli %mul3A_170, %add3A_37 : i32
        %add3A_172 = arith.constant 1 : i32
        %add3A_173 = arith.addi %mul3A_171, %add3A_172 : i32
        %get3A_174 = arith.index_cast %add3A_173 : i32 to index
        %get3A_175 = arith.index_cast %add3A_99 : i32 to index
        %get3A_176 = tpu.vector_load %arg5[%get3A_174, %get3A_175] {strides = array<i32>} : memref<300x128xf32, #tpu.memory_space<vmem>>, vector<16xf32>,
        %mul3A_177 = arith.constant 3 : i32
        %mul3A_178 = arith.muli %mul3A_177, %add3A_37 : i32
        %add3A_179 = arith.constant 2 : i32
        %add3A_180 = arith.addi %mul3A_178, %add3A_179 : i32
        %get3A_181 = arith.index_cast %add3A_180 : i32 to index
        %get3A_182 = arith.index_cast %add3A_99 : i32 to index
        %get3A_183 = tpu.vector_load %arg5[%get3A_181, %get3A_182] {strides = array<i32>} : memref<300x128xf32, #tpu.memory_space<vmem>>, vector<16xf32>,
        %min3A_184 = arith.minimumf %get3A_169, %get3A_176 : vector<16xf32>
        %min3A_185 = arith.minimumf %min3A_184, %get3A_183 : vector<16xf32>
        %max3A_186 = arith.maximumf %get3A_169, %get3A_176 : vector<16xf32>
        %max3A_187 = arith.maximumf %max3A_186, %get3A_183 : vector<16xf32>
        %min3A_188 = arith.minimumf %get3A_169, %get3A_176 : vector<16xf32>
        %max3A_189 = arith.maximumf %get3A_169, %get3A_176 : vector<16xf32>
        %min3A_190 = arith.minimumf %max3A_189, %get3A_183 : vector<16xf32>
        %max3A_191 = arith.maximumf %min3A_188, %min3A_190 : vector<16xf32>
        %le3A_192 = arith.cmpf ole, %get3A_169, %get3A_176 : vector<16xf32>
        %le3A_193 = arith.cmpf ole, %get3A_169, %get3A_183 : vector<16xf32>
        %and3A_194 = arith.andi %le3A_192, %le3A_193 : vector<16xi1>
        %le3A_195 = arith.cmpf ole, %get3A_176, %get3A_183 : vector<16xf32>
        %jit3A_196 = arith.constant 2 : i32
        %jit3A_197 = arith.constant 4 : i32
        %broadcast_in_dim3A_198 = vector.broadcast %jit3A_196 : i32 to vector<16xi32>
        %broadcast_in_dim3A_199 = vector.broadcast %jit3A_197 : i32 to vector<16xi32>
        %select_n3A_200 = arith.select %le3A_195, %broadcast_in_dim3A_198, %broadcast_in_dim3A_199 : vector<16xi1>, vector<16xi32>
        %jit3A_201 = arith.constant 1 : i32
        %broadcast_in_dim3A_202 = vector.broadcast %jit3A_201 : i32 to vector<16xi32>
        %select_n3A_203 = arith.select %and3A_194, %broadcast_in_dim3A_202, %select_n3A_200 : vector<16xi1>, vector<16xi32>
        %ge3A_204 = arith.cmpf oge, %get3A_183, %get3A_169 : vector<16xf32>
        %ge3A_205 = arith.cmpf oge, %get3A_183, %get3A_176 : vector<16xf32>
        %and3A_206 = arith.andi %ge3A_204, %ge3A_205 : vector<16xi1>
        %ge3A_207 = arith.cmpf oge, %get3A_176, %get3A_169 : vector<16xf32>
        %jit3A_208 = arith.constant 2 : i32
        %jit3A_209 = arith.constant 1 : i32
        %broadcast_in_dim3A_210 = vector.broadcast %jit3A_208 : i32 to vector<16xi32>
        %broadcast_in_dim3A_211 = vector.broadcast %jit3A_209 : i32 to vector<16xi32>
        %select_n3A_212 = arith.select %ge3A_207, %broadcast_in_dim3A_210, %broadcast_in_dim3A_211 : vector<16xi1>, vector<16xi32>
        %jit3A_213 = arith.constant 4 : i32
        %broadcast_in_dim3A_214 = vector.broadcast %jit3A_213 : i32 to vector<16xi32>
        %select_n3A_215 = arith.select %and3A_206, %broadcast_in_dim3A_214, %select_n3A_212 : vector<16xi1>, vector<16xi32>
        %sub3A_216 = arith.subf %max3A_191, %min3A_185 : vector<16xf32>
        %sub3A_217 = arith.subf %max3A_187, %max3A_191 : vector<16xf32>
        %add3A_218 = arith.constant 119 : i32
        %add3A_219 = arith.addi %mul3A_68, %add3A_218 : i32
        %mul3A_220 = arith.constant 17 : i32
        %mul3A_221 = vector.broadcast %mul3A_220 : i32 to vector<16xi32>
        %mul3A_222 = arith.muli %select_n3A_203, %mul3A_221 : vector<16xi32>
        %sub3A_223 = vector.broadcast %add3A_219 : i32 to vector<16xi32>
        %sub3A_224 = arith.subi %sub3A_223, %mul3A_222 : vector<16xi32>
        %mul3A_225 = arith.constant 17 : i32
        %mul3A_226 = vector.broadcast %mul3A_225 : i32 to vector<16xi32>
        %mul3A_227 = arith.muli %select_n3A_215, %mul3A_226 : vector<16xi32>
        %add3A_228 = vector.broadcast %mul3A_68 : i32 to vector<16xi32>
        %add3A_229 = arith.addi %add3A_228, %mul3A_227 : vector<16xi32>
        %mul3A_230 = arith.constant 3 : i32
        %mul3A_231 = arith.muli %mul3A_230, %add3A_37 : i32
        %get3A_232 = arith.index_cast %mul3A_231 : i32 to index
        %get3A_233 = arith.index_cast %add3A_103 : i32 to index
        %get3A_234 = tpu.vector_load %arg5[%get3A_232, %get3A_233] {strides = array<i32>} : memref<300x128xf32, #tpu.memory_space<vmem>>, vector<16xf32>,
        %mul3A_235 = arith.constant 3 : i32
        %mul3A_236 = arith.muli %mul3A_235, %add3A_37 : i32
        %add3A_237 = arith.constant 1 : i32
        %add3A_238 = arith.addi %mul3A_236, %add3A_237 : i32
        %get3A_239 = arith.index_cast %add3A_238 : i32 to index
        %get3A_240 = arith.index_cast %add3A_103 : i32 to index
        %get3A_241 = tpu.vector_load %arg5[%get3A_239, %get3A_240] {strides = array<i32>} : memref<300x128xf32, #tpu.memory_space<vmem>>, vector<16xf32>,
        %mul3A_242 = arith.constant 3 : i32
        %mul3A_243 = arith.muli %mul3A_242, %add3A_37 : i32
        %add3A_244 = arith.constant 2 : i32
        %add3A_245 = arith.addi %mul3A_243, %add3A_244 : i32
        %get3A_246 = arith.index_cast %add3A_245 : i32 to index
        %get3A_247 = arith.index_cast %add3A_103 : i32 to index
        %get3A_248 = tpu.vector_load %arg5[%get3A_246, %get3A_247] {strides = array<i32>} : memref<300x128xf32, #tpu.memory_space<vmem>>, vector<16xf32>,
        %min3A_249 = arith.minimumf %get3A_234, %get3A_241 : vector<16xf32>
        %min3A_250 = arith.minimumf %min3A_249, %get3A_248 : vector<16xf32>
        %max3A_251 = arith.maximumf %get3A_234, %get3A_241 : vector<16xf32>
        %max3A_252 = arith.maximumf %max3A_251, %get3A_248 : vector<16xf32>
        %min3A_253 = arith.minimumf %get3A_234, %get3A_241 : vector<16xf32>
        %max3A_254 = arith.maximumf %get3A_234, %get3A_241 : vector<16xf32>
        %min3A_255 = arith.minimumf %max3A_254, %get3A_248 : vector<16xf32>
        %max3A_256 = arith.maximumf %min3A_253, %min3A_255 : vector<16xf32>
        %le3A_257 = arith.cmpf ole, %get3A_234, %get3A_241 : vector<16xf32>
        %le3A_258 = arith.cmpf ole, %get3A_234, %get3A_248 : vector<16xf32>
        %and3A_259 = arith.andi %le3A_257, %le3A_258 : vector<16xi1>
        %le3A_260 = arith.cmpf ole, %get3A_241, %get3A_248 : vector<16xf32>
        %jit3A_261 = arith.constant 2 : i32
        %jit3A_262 = arith.constant 4 : i32
        %broadcast_in_dim3A_263 = vector.broadcast %jit3A_261 : i32 to vector<16xi32>
        %broadcast_in_dim3A_264 = vector.broadcast %jit3A_262 : i32 to vector<16xi32>
        %select_n3A_265 = arith.select %le3A_260, %broadcast_in_dim3A_263, %broadcast_in_dim3A_264 : vector<16xi1>, vector<16xi32>
        %jit3A_266 = arith.constant 1 : i32
        %broadcast_in_dim3A_267 = vector.broadcast %jit3A_266 : i32 to vector<16xi32>
        %select_n3A_268 = arith.select %and3A_259, %broadcast_in_dim3A_267, %select_n3A_265 : vector<16xi1>, vector<16xi32>
        %ge3A_269 = arith.cmpf oge, %get3A_248, %get3A_234 : vector<16xf32>
        %ge3A_270 = arith.cmpf oge, %get3A_248, %get3A_241 : vector<16xf32>
        %and3A_271 = arith.andi %ge3A_269, %ge3A_270 : vector<16xi1>
        %ge3A_272 = arith.cmpf oge, %get3A_241, %get3A_234 : vector<16xf32>
        %jit3A_273 = arith.constant 2 : i32
        %jit3A_274 = arith.constant 1 : i32
        %broadcast_in_dim3A_275 = vector.broadcast %jit3A_273 : i32 to vector<16xi32>
        %broadcast_in_dim3A_276 = vector.broadcast %jit3A_274 : i32 to vector<16xi32>
        %select_n3A_277 = arith.select %ge3A_272, %broadcast_in_dim3A_275, %broadcast_in_dim3A_276 : vector<16xi1>, vector<16xi32>
        %jit3A_278 = arith.constant 4 : i32
        %broadcast_in_dim3A_279 = vector.broadcast %jit3A_278 : i32 to vector<16xi32>
        %select_n3A_280 = arith.select %and3A_271, %broadcast_in_dim3A_279, %select_n3A_277 : vector<16xi1>, vector<16xi32>
        %sub3A_281 = arith.subf %max3A_256, %min3A_250 : vector<16xf32>
        %sub3A_282 = arith.subf %max3A_252, %max3A_256 : vector<16xf32>
        %add3A_283 = arith.constant 119 : i32
        %add3A_284 = arith.addi %mul3A_68, %add3A_283 : i32
        %mul3A_285 = arith.constant 17 : i32
        %mul3A_286 = vector.broadcast %mul3A_285 : i32 to vector<16xi32>
        %mul3A_287 = arith.muli %select_n3A_268, %mul3A_286 : vector<16xi32>
        %sub3A_288 = vector.broadcast %add3A_284 : i32 to vector<16xi32>
        %sub3A_289 = arith.subi %sub3A_288, %mul3A_287 : vector<16xi32>
        %mul3A_290 = arith.constant 17 : i32
        %mul3A_291 = vector.broadcast %mul3A_290 : i32 to vector<16xi32>
        %mul3A_292 = arith.muli %select_n3A_280, %mul3A_291 : vector<16xi32>
        %add3A_293 = vector.broadcast %mul3A_68 : i32 to vector<16xi32>
        %add3A_294 = arith.addi %add3A_293, %mul3A_292 : vector<16xi32>
        %mul3A_295 = arith.constant 3 : i32
        %mul3A_296 = arith.muli %mul3A_295, %add3A_37 : i32
        %get3A_297 = arith.index_cast %mul3A_296 : i32 to index
        %get3A_298 = arith.index_cast %add3A_107 : i32 to index
        %get3A_299 = tpu.vector_load %arg5[%get3A_297, %get3A_298] {strides = array<i32>} : memref<300x128xf32, #tpu.memory_space<vmem>>, vector<16xf32>,
        %mul3A_300 = arith.constant 3 : i32
        %mul3A_301 = arith.muli %mul3A_300, %add3A_37 : i32
        %add3A_302 = arith.constant 1 : i32
        %add3A_303 = arith.addi %mul3A_301, %add3A_302 : i32
        %get3A_304 = arith.index_cast %add3A_303 : i32 to index
        %get3A_305 = arith.index_cast %add3A_107 : i32 to index
        %get3A_306 = tpu.vector_load %arg5[%get3A_304, %get3A_305] {strides = array<i32>} : memref<300x128xf32, #tpu.memory_space<vmem>>, vector<16xf32>,
        %mul3A_307 = arith.constant 3 : i32
        %mul3A_308 = arith.muli %mul3A_307, %add3A_37 : i32
        %add3A_309 = arith.constant 2 : i32
        %add3A_310 = arith.addi %mul3A_308, %add3A_309 : i32
        %get3A_311 = arith.index_cast %add3A_310 : i32 to index
        %get3A_312 = arith.index_cast %add3A_107 : i32 to index
        %get3A_313 = tpu.vector_load %arg5[%get3A_311, %get3A_312] {strides = array<i32>} : memref<300x128xf32, #tpu.memory_space<vmem>>, vector<16xf32>,
        %min3A_314 = arith.minimumf %get3A_299, %get3A_306 : vector<16xf32>
        %min3A_315 = arith.minimumf %min3A_314, %get3A_313 : vector<16xf32>
        %max3A_316 = arith.maximumf %get3A_299, %get3A_306 : vector<16xf32>
        %max3A_317 = arith.maximumf %max3A_316, %get3A_313 : vector<16xf32>
        %min3A_318 = arith.minimumf %get3A_299, %get3A_306 : vector<16xf32>
        %max3A_319 = arith.maximumf %get3A_299, %get3A_306 : vector<16xf32>
        %min3A_320 = arith.minimumf %max3A_319, %get3A_313 : vector<16xf32>
        %max3A_321 = arith.maximumf %min3A_318, %min3A_320 : vector<16xf32>
        %le3A_322 = arith.cmpf ole, %get3A_299, %get3A_306 : vector<16xf32>
        %le3A_323 = arith.cmpf ole, %get3A_299, %get3A_313 : vector<16xf32>
        %and3A_324 = arith.andi %le3A_322, %le3A_323 : vector<16xi1>
        %le3A_325 = arith.cmpf ole, %get3A_306, %get3A_313 : vector<16xf32>
        %jit3A_326 = arith.constant 2 : i32
        %jit3A_327 = arith.constant 4 : i32
        %broadcast_in_dim3A_328 = vector.broadcast %jit3A_326 : i32 to vector<16xi32>
        %broadcast_in_dim3A_329 = vector.broadcast %jit3A_327 : i32 to vector<16xi32>
        %select_n3A_330 = arith.select %le3A_325, %broadcast_in_dim3A_328, %broadcast_in_dim3A_329 : vector<16xi1>, vector<16xi32>
        %jit3A_331 = arith.constant 1 : i32
        %broadcast_in_dim3A_332 = vector.broadcast %jit3A_331 : i32 to vector<16xi32>
        %select_n3A_333 = arith.select %and3A_324, %broadcast_in_dim3A_332, %select_n3A_330 : vector<16xi1>, vector<16xi32>
        %ge3A_334 = arith.cmpf oge, %get3A_313, %get3A_299 : vector<16xf32>
        %ge3A_335 = arith.cmpf oge, %get3A_313, %get3A_306 : vector<16xf32>
        %and3A_336 = arith.andi %ge3A_334, %ge3A_335 : vector<16xi1>
        %ge3A_337 = arith.cmpf oge, %get3A_306, %get3A_299 : vector<16xf32>
        %jit3A_338 = arith.constant 2 : i32
        %jit3A_339 = arith.constant 1 : i32
        %broadcast_in_dim3A_340 = vector.broadcast %jit3A_338 : i32 to vector<16xi32>
        %broadcast_in_dim3A_341 = vector.broadcast %jit3A_339 : i32 to vector<16xi32>
        %select_n3A_342 = arith.select %ge3A_337, %broadcast_in_dim3A_340, %broadcast_in_dim3A_341 : vector<16xi1>, vector<16xi32>
        %jit3A_343 = arith.constant 4 : i32
        %broadcast_in_dim3A_344 = vector.broadcast %jit3A_343 : i32 to vector<16xi32>
        %select_n3A_345 = arith.select %and3A_336, %broadcast_in_dim3A_344, %select_n3A_342 : vector<16xi1>, vector<16xi32>
        %sub3A_346 = arith.subf %max3A_321, %min3A_315 : vector<16xf32>
        %sub3A_347 = arith.subf %max3A_317, %max3A_321 : vector<16xf32>
        %add3A_348 = arith.constant 119 : i32
        %add3A_349 = arith.addi %mul3A_68, %add3A_348 : i32
        %mul3A_350 = arith.constant 17 : i32
        %mul3A_351 = vector.broadcast %mul3A_350 : i32 to vector<16xi32>
        %mul3A_352 = arith.muli %select_n3A_333, %mul3A_351 : vector<16xi32>
        %sub3A_353 = vector.broadcast %add3A_349 : i32 to vector<16xi32>
        %sub3A_354 = arith.subi %sub3A_353, %mul3A_352 : vector<16xi32>
        %mul3A_355 = arith.constant 17 : i32
        %mul3A_356 = vector.broadcast %mul3A_355 : i32 to vector<16xi32>
        %mul3A_357 = arith.muli %select_n3A_345, %mul3A_356 : vector<16xi32>
        %add3A_358 = vector.broadcast %mul3A_68 : i32 to vector<16xi32>
        %add3A_359 = arith.addi %add3A_358, %mul3A_357 : vector<16xi32>
        %parallel_loop3A = arith.constant 0 : i32
        %parallel_loop3A_360 = arith.constant 16 : i32
        %parallel_loop3A_361 = arith.constant 1 : i32
        scf.for %parallel_loop3A_362 = %parallel_loop3A to %parallel_loop3A_360 step %parallel_loop3A_361  : i32 {
          %parallel_loop3A_363 = arith.constant 0 : i32
          %parallel_loop3A_364 = vector.broadcast %parallel_loop3A_363 : i32 to vector<16x1xi32>
          %parallel_loop3A_365 = vector.broadcast %parallel_loop3A_362 : i32 to vector<16x1xi32>
          %parallel_loop3A_366 = arith.addi %parallel_loop3A_364, %parallel_loop3A_365 : vector<16x1xi32>
          %parallel_loop3A_367 = vector.shape_cast %parallel_loop3A_366 : vector<16x1xi32> to vector<16xi32>
          %parallel_loop3A_368 = tpu.dynamic_gather %get3A_72[%parallel_loop3A_367] in [0] : vector<16xf32>, vector<16xi32> -> vector<16xf32>
          %parallel_loop3A_369 = vector.broadcast %parallel_loop3A_362 : i32 to vector<16xi32>
          %parallel_loop3A_370 = arith.addi %sub3A_159, %parallel_loop3A_369 : vector<16xi32>
          %parallel_loop3A_371 = tpu.vector_load_idx %arg6[%parallel_loop3A_370] : memref<13600xf32, #tpu.memory_space<vmem>>[vector<16xi32>], vector<16xf32>,
          %parallel_loop3A_372 = vector.broadcast %parallel_loop3A_362 : i32 to vector<16xi32>
          %parallel_loop3A_373 = arith.addi %add3A_164, %parallel_loop3A_372 : vector<16xi32>
          %parallel_loop3A_374 = tpu.vector_load_idx %arg6[%parallel_loop3A_373] : memref<13600xf32, #tpu.memory_space<vmem>>[vector<16xi32>], vector<16xf32>,
          %parallel_loop3A_375 = arith.mulf %min3A_127, %parallel_loop3A_368 : vector<16xf32>
          %parallel_loop3A_376 = arith.mulf %sub3A, %parallel_loop3A_371 : vector<16xf32>
          %parallel_loop3A_377 = arith.addf %parallel_loop3A_375, %parallel_loop3A_376 : vector<16xf32>
          %parallel_loop3A_378 = arith.mulf %sub3A_152, %parallel_loop3A_374 : vector<16xf32>
          %parallel_loop3A_379 = arith.addf %parallel_loop3A_377, %parallel_loop3A_378 : vector<16xf32>
          %parallel_loop3A_380 = arith.constant 16 : i32
          %parallel_loop3A_381 = arith.addi %parallel_loop3A_380, %parallel_loop3A_362 : i32
          %parallel_loop3A_382 = arith.index_cast %parallel_loop3A_381 : i32 to index
          %parallel_loop3A_383 = arith.index_cast %add3A_95 : i32 to index
          %parallel_loop3A_384 = tpu.vector_load %arg7[%parallel_loop3A_382, %parallel_loop3A_383] {strides = array<i32>} : memref<32x128xf32, #tpu.memory_space<vmem>>, vector<16xf32>,
          tpu.vector_store %arg7[%parallel_loop3A_382, %parallel_loop3A_383], %parallel_loop3A_379 {strides = array<i32>} : memref<32x128xf32, #tpu.memory_space<vmem>>, vector<16xf32>,
          %parallel_loop3A_385 = vector.broadcast %parallel_loop3A_362 : i32 to vector<16xi32>
          %parallel_loop3A_386 = arith.addi %sub3A_224, %parallel_loop3A_385 : vector<16xi32>
          %parallel_loop3A_387 = tpu.vector_load_idx %arg6[%parallel_loop3A_386] : memref<13600xf32, #tpu.memory_space<vmem>>[vector<16xi32>], vector<16xf32>,
          %parallel_loop3A_388 = vector.broadcast %parallel_loop3A_362 : i32 to vector<16xi32>
          %parallel_loop3A_389 = arith.addi %add3A_229, %parallel_loop3A_388 : vector<16xi32>
          %parallel_loop3A_390 = tpu.vector_load_idx %arg6[%parallel_loop3A_389] : memref<13600xf32, #tpu.memory_space<vmem>>[vector<16xi32>], vector<16xf32>,
          %parallel_loop3A_391 = arith.mulf %min3A_185, %parallel_loop3A_368 : vector<16xf32>
          %parallel_loop3A_392 = arith.mulf %sub3A_216, %parallel_loop3A_387 : vector<16xf32>
          %parallel_loop3A_393 = arith.addf %parallel_loop3A_391, %parallel_loop3A_392 : vector<16xf32>
          %parallel_loop3A_394 = arith.mulf %sub3A_217, %parallel_loop3A_390 : vector<16xf32>
          %parallel_loop3A_395 = arith.addf %parallel_loop3A_393, %parallel_loop3A_394 : vector<16xf32>
          %parallel_loop3A_396 = arith.constant 16 : i32
          %parallel_loop3A_397 = arith.addi %parallel_loop3A_396, %parallel_loop3A_362 : i32
          %parallel_loop3A_398 = arith.index_cast %parallel_loop3A_397 : i32 to index
          %parallel_loop3A_399 = arith.index_cast %add3A_99 : i32 to index
          %parallel_loop3A_400 = tpu.vector_load %arg7[%parallel_loop3A_398, %parallel_loop3A_399] {strides = array<i32>} : memref<32x128xf32, #tpu.memory_space<vmem>>, vector<16xf32>,
          tpu.vector_store %arg7[%parallel_loop3A_398, %parallel_loop3A_399], %parallel_loop3A_395 {strides = array<i32>} : memref<32x128xf32, #tpu.memory_space<vmem>>, vector<16xf32>,
          %parallel_loop3A_401 = vector.broadcast %parallel_loop3A_362 : i32 to vector<16xi32>
          %parallel_loop3A_402 = arith.addi %sub3A_289, %parallel_loop3A_401 : vector<16xi32>
          %parallel_loop3A_403 = tpu.vector_load_idx %arg6[%parallel_loop3A_402] : memref<13600xf32, #tpu.memory_space<vmem>>[vector<16xi32>], vector<16xf32>,
          %parallel_loop3A_404 = vector.broadcast %parallel_loop3A_362 : i32 to vector<16xi32>
          %parallel_loop3A_405 = arith.addi %add3A_294, %parallel_loop3A_404 : vector<16xi32>
          %parallel_loop3A_406 = tpu.vector_load_idx %arg6[%parallel_loop3A_405] : memref<13600xf32, #tpu.memory_space<vmem>>[vector<16xi32>], vector<16xf32>,
          %parallel_loop3A_407 = arith.mulf %min3A_250, %parallel_loop3A_368 : vector<16xf32>
          %parallel_loop3A_408 = arith.mulf %sub3A_281, %parallel_loop3A_403 : vector<16xf32>
          %parallel_loop3A_409 = arith.addf %parallel_loop3A_407, %parallel_loop3A_408 : vector<16xf32>
          %parallel_loop3A_410 = arith.mulf %sub3A_282, %parallel_loop3A_406 : vector<16xf32>
          %parallel_loop3A_411 = arith.addf %parallel_loop3A_409, %parallel_loop3A_410 : vector<16xf32>
          %parallel_loop3A_412 = arith.constant 16 : i32
          %parallel_loop3A_413 = arith.addi %parallel_loop3A_412, %parallel_loop3A_362 : i32
          %parallel_loop3A_414 = arith.index_cast %parallel_loop3A_413 : i32 to index
          %parallel_loop3A_415 = arith.index_cast %add3A_103 : i32 to index
          %parallel_loop3A_416 = tpu.vector_load %arg7[%parallel_loop3A_414, %parallel_loop3A_415] {strides = array<i32>} : memref<32x128xf32, #tpu.memory_space<vmem>>, vector<16xf32>,
          tpu.vector_store %arg7[%parallel_loop3A_414, %parallel_loop3A_415], %parallel_loop3A_411 {strides = array<i32>} : memref<32x128xf32, #tpu.memory_space<vmem>>, vector<16xf32>,
          %parallel_loop3A_417 = vector.broadcast %parallel_loop3A_362 : i32 to vector<16xi32>
          %parallel_loop3A_418 = arith.addi %sub3A_354, %parallel_loop3A_417 : vector<16xi32>
          %parallel_loop3A_419 = tpu.vector_load_idx %arg6[%parallel_loop3A_418] : memref<13600xf32, #tpu.memory_space<vmem>>[vector<16xi32>], vector<16xf32>,
          %parallel_loop3A_420 = vector.broadcast %parallel_loop3A_362 : i32 to vector<16xi32>
          %parallel_loop3A_421 = arith.addi %add3A_359, %parallel_loop3A_420 : vector<16xi32>
          %parallel_loop3A_422 = tpu.vector_load_idx %arg6[%parallel_loop3A_421] : memref<13600xf32, #tpu.memory_space<vmem>>[vector<16xi32>], vector<16xf32>,
          %parallel_loop3A_423 = arith.mulf %min3A_315, %parallel_loop3A_368 : vector<16xf32>
          %parallel_loop3A_424 = arith.mulf %sub3A_346, %parallel_loop3A_419 : vector<16xf32>
          %parallel_loop3A_425 = arith.addf %parallel_loop3A_423, %parallel_loop3A_424 : vector<16xf32>
          %parallel_loop3A_426 = arith.mulf %sub3A_347, %parallel_loop3A_422 : vector<16xf32>
          %parallel_loop3A_427 = arith.addf %parallel_loop3A_425, %parallel_loop3A_426 : vector<16xf32>
          %parallel_loop3A_428 = arith.constant 16 : i32
          %parallel_loop3A_429 = arith.addi %parallel_loop3A_428, %parallel_loop3A_362 : i32
          %parallel_loop3A_430 = arith.index_cast %parallel_loop3A_429 : i32 to index
          %parallel_loop3A_431 = arith.index_cast %add3A_107 : i32 to index
          %parallel_loop3A_432 = tpu.vector_load %arg7[%parallel_loop3A_430, %parallel_loop3A_431] {strides = array<i32>} : memref<32x128xf32, #tpu.memory_space<vmem>>, vector<16xf32>,
          tpu.vector_store %arg7[%parallel_loop3A_430, %parallel_loop3A_431], %parallel_loop3A_427 {strides = array<i32>} : memref<32x128xf32, #tpu.memory_space<vmem>>, vector<16xf32>,
        } {sc.loop_unroll_factor = 2 : i64, sc.parallel_access}
      }
      %scan3A_78 = arith.constant 2 : i32
      %mul3A_79 = arith.constant 16 : i32
      %mul3A_80 = arith.muli %add3A_37, %mul3A_79 : i32
      %mul3A_81 = arith.constant 128 : i32
      %mul3A_82 = arith.muli %add3A, %mul3A_81 : i32
      %dma_start3A_83 = arith.constant 16 : i32
      %dma_start3A_84 = arith.constant 0 : i32
      %dma_start3A_85 = tpu.memref_slice %arg7[%dma_start3A_83, %dma_start3A_84] : memref<32x128xf32, #tpu.memory_space<vmem>> -> memref<16x128xf32, #tpu.memory_space<vmem>>
      %dma_start3A_86 = tpu.memref_slice %arg4[%mul3A_80, %mul3A_82] : memref<1600x4096xf32, #tpu.memory_space<hbm>> -> memref<16x128xf32, #tpu.memory_space<hbm>>
      %dma_start3A_87 = tpu.memref_slice %arg4[%mul3A_80, %mul3A_82] : memref<1600x4096xf32, #tpu.memory_space<hbm>> -> memref<16x128xf32, #tpu.memory_space<hbm>>
      %dma_start3A_88 = arith.constant 16 : i32
      %dma_start3A_89 = arith.constant 0 : i32
      %dma_start3A_90 = tpu.memref_slice %arg7[%dma_start3A_88, %dma_start3A_89] : memref<32x128xf32, #tpu.memory_space<vmem>> -> memref<16x128xf32, #tpu.memory_space<vmem>>
      tpu.enqueue_dma source(%dma_start3A_90 : memref<16x128xf32, #tpu.memory_space<vmem>>) target(%dma_start3A_87 : memref<16x128xf32, #tpu.memory_space<hbm>>) target_semaphore(%arg9 : memref<!tpu.dma_semaphore, #tpu.memory_space<semaphore_mem>>)
    }
    %scan3A_7 = arith.constant 50 : i32
    %mul3A_8 = arith.constant 128 : i32
    %mul3A_9 = arith.muli %add3A, %mul3A_8 : i32
    %dma_wait3A = arith.constant 0 : i32
    %dma_wait3A_10 = arith.constant 0 : i32
    %dma_wait3A_11 = tpu.memref_slice %arg7[%dma_wait3A, %dma_wait3A_10] : memref<32x128xf32, #tpu.memory_space<vmem>> -> memref<16x128xf32, #tpu.memory_space<vmem>>
    %dma_wait3A_12 = arith.constant 1568 : i32
    %dma_wait3A_13 = tpu.memref_slice %arg4[%dma_wait3A_12, %mul3A_9] : memref<1600x4096xf32, #tpu.memory_space<hbm>> -> memref<16x128xf32, #tpu.memory_space<hbm>>
    %dma_wait3A_14 = arith.constant 1568 : i32
    %dma_wait3A_15 = tpu.memref_slice %arg4[%dma_wait3A_14, %mul3A_9] : memref<1600x4096xf32, #tpu.memory_space<hbm>> -> memref<16x128xf32, #tpu.memory_space<hbm>>
    %dma_wait3A_16 = arith.constant 0 : i32
    %dma_wait3A_17 = arith.constant 0 : i32
    %dma_wait3A_18 = tpu.memref_slice %arg7[%dma_wait3A_16, %dma_wait3A_17] : memref<32x128xf32, #tpu.memory_space<vmem>> -> memref<16x128xf32, #tpu.memory_space<vmem>>
    tpu.wait_dma2 semaphore(%arg8 : memref<!tpu.dma_semaphore, #tpu.memory_space<semaphore_mem>>) src(%dma_wait3A_18 : memref<16x128xf32, #tpu.memory_space<vmem>>) dst(%dma_wait3A_15 : memref<16x128xf32, #tpu.memory_space<hbm>>)
    %mul3A_19 = arith.constant 128 : i32
    %mul3A_20 = arith.muli %add3A, %mul3A_19 : i32
    %dma_wait3A_21 = arith.constant 16 : i32
    %dma_wait3A_22 = arith.constant 0 : i32
    %dma_wait3A_23 = tpu.memref_slice %arg7[%dma_wait3A_21, %dma_wait3A_22] : memref<32x128xf32, #tpu.memory_space<vmem>> -> memref<16x128xf32, #tpu.memory_space<vmem>>
    %dma_wait3A_24 = arith.constant 1584 : i32
    %dma_wait3A_25 = tpu.memref_slice %arg4[%dma_wait3A_24, %mul3A_20] : memref<1600x4096xf32, #tpu.memory_space<hbm>> -> memref<16x128xf32, #tpu.memory_space<hbm>>
    %dma_wait3A_26 = arith.constant 1584 : i32
    %dma_wait3A_27 = tpu.memref_slice %arg4[%dma_wait3A_26, %mul3A_20] : memref<1600x4096xf32, #tpu.memory_space<hbm>> -> memref<16x128xf32, #tpu.memory_space<hbm>>
    %dma_wait3A_28 = arith.constant 16 : i32
    %dma_wait3A_29 = arith.constant 0 : i32
    %dma_wait3A_30 = tpu.memref_slice %arg7[%dma_wait3A_28, %dma_wait3A_29] : memref<32x128xf32, #tpu.memory_space<vmem>> -> memref<16x128xf32, #tpu.memory_space<vmem>>
    tpu.wait_dma2 semaphore(%arg9 : memref<!tpu.dma_semaphore, #tpu.memory_space<semaphore_mem>>) src(%dma_wait3A_30 : memref<16x128xf32, #tpu.memory_space<vmem>>) dst(%dma_wait3A_27 : memref<16x128xf32, #tpu.memory_space<hbm>>)
    return
  }
}

</mosaic_0001>

<sc_bundles>
// kernel: kernel.3.cloned.1.call-start
scs
__scs_entry_jumppad:
0x0: {  	(pc) =	sbr.rel $0x88, $3  }
0x1: {  	(tag) =	ssettag $0x0;
	lr =	simm.s32 $0x1  }
0x2: {  	[smem:$0x3F9F] =	sst lr;
	_ =	strace $0xD0000000  }
0x3: {  	_ = 	snop  }
0x4: {  	_ = 	snop  }
0x5: {  	_ = 	snop  }
0x6: {  	_ = 	snop  }
0x7: {  	_ = 	snop  }
__scs_overlays_trampoline_lowered:
0x8: {  	[smem:$0x3FAE] =	sst s0  }
0x9: {  	[smem:$0x3FAF] =	sst s1  }
0xa: {  	[smem:$0x3FB0] =	sst s2  }
0xb: {  	[smem:$0x3FB1] =	sst s3  }
0xc: {  	[smem:$0x3FB2] =	sst s4  }
0xd: {  	[smem:$0x3FB3] =	sst s5  }
0xe: {  	[smem:$0x3FB4] =	sst s6  }
0xf: {  	[smem:$0x3FB5] =	sst s7  }
0x10: {  	[smem:$0x3FB6] =	sst s8  }
0x11: {  	[smem:$0x3FB7] =	sst s9;
	s0 =	simm.s32 @!p0 $0x0  }
0x12: {  	s1 =	sld [smem:$0x3F9D];
	s0 =	simm.s32 @p0 $0x1  }
0x13: {  	[smem:$0x3FB8] =	sst s0;
	s0 =	simm.s32 @!p1 $0x0  }
0x14: {  	s2 =	sld [smem:$0x3F9C];
	s0 =	simm.s32 @p1 $0x1  }
0x15: {  	[smem:$0x3FB9] =	sst s0;
	s0 =	simm.s32 @!p2 $0x0  }
0x16: {  	s3 =	sld [smem:$0x3FDB];
	s0 =	simm.s32 @p2 $0x1  }
0x17: {  	s4 =	simm.s32 $0x1BF5;
	[smem:$0x3FBB] =	sst s0  }
0x18: {  	s0 =	sld [smem:$0x3F9E];
	_ =	swait.ge [sflag:s4], $0x0  }
0x19: {  	s7 =	sld [smem:$0x3F9F]  }
0x1a: {  	s8 =	sadd.s32 $0xFFFFE003, lr  }
0x1b: {  	s9 =	sadd.s32 $0xFFFFFEF7, lr;
	s5 =	simm.s32 $0xFFFFFFFF;
	p2 =	slt.u32 s8, $0xFFFFF086  }
0x1c: {  	p1 =	slt.u32 s9, $0xF7A;
	s5 =	simm.s32 @!p2 $0x0  }
0x1d: {  	s5 =	simm.s32 @p1 $0x1;
	p0 =	seq.s32 s7, s2  }
0x1e: {  	s7 =	smul.u32 @!p0 $0xF7A, s2;
	p2 =	seq.s32 @!p0 s5, $0x0  }
0x1f: {  	s9 =	smul.u32 $0xF7A, s1;
	s8 =	simm.s32 @!p0 $0x1BF5;
	p2 =	por !p2, p0  }
0x20: {  	[sflag:s8] =	ssyncset.s32 @!p0 $0xFFFFF086;
	s6 =	sadd.s32 @!p0 s3, s7;
	s7 =	simm.s32 @!p0 $0x108  }
0x21: {  	s3 =	sadd.s32 s3, s9;
	s6 =	sadd.s32 @!p0 $0x88, s6;
	s7 =	simm.s32 @p2 $0x1082  }
0x22: {  	[simem:s7], [sflag:s8] =	dma.local @!p0 [hbm:s6], $0xF7A  }
0x23: {  	s9 =	sor.u32 $0xD0000000, s2;
	s6 =	simm.s32 $0x108;
	_ =	swait.ge @!p0 [sflag:s8], $0x0  }
0x24: {  	s3 =	sadd.s32 $0x88, s3;
	s6 =	simm.s32 @!p1 $0x1082;
	[sflag:s4] =	ssyncset.s32 $0xFFFFF086  }
0x25: {  	[simem:s6], [sflag:s4] =	dma.local [hbm:s3], $0xF7A  }
0x26: {  	[smem:$0x3F9F] =	sst s1;
	(tag) =	ssettag s2;
	_ =	strace s9  }
0x27: {  	s1 =	sld [smem:$0x3FAF]  }
0x28: {  	s2 =	sld [smem:$0x3FB0]  }
0x29: {  	s4 =	sld [smem:$0x3FB2]  }
0x2a: {  	p0 =	seq.s32 s5, $0x0;
	s5 =	sld [smem:$0x3FB3]  }
0x2b: {  	s6 =	sld [smem:$0x3FB4]  }
0x2c: {  	s7 =	sld [smem:$0x3FB5]  }
0x2d: {  	s3 =	simm.s32 $0x108;
	s8 =	sld [smem:$0x3FB6]  }
0x2e: {  	s3 =	simm.s32 @!p0 $0x1082;
	s9 =	sld [smem:$0x3FB7]  }
0x2f: {  	lr =	sadd.s32 s0, s3;
	s0 =	sld [smem:$0x3FAE]  }
0x30: {  	s3 =	sld [smem:$0x3FB1]  }
0x31: {  	[smem:$0x3FBA] =	sst s10  }
0x32: {  	s10 =	sld [smem:$0x3FB8];
	_ =	sdelay $0x3  }
0x33: {  	p0 =	seq.s32 s10, $0x1;
	s10 =	sld [smem:$0x3FBA];
	_ =	sdelay $0x3  }
0x34: {  	[smem:$0x3FBA] =	sst s10  }
0x35: {  	s10 =	sld [smem:$0x3FB9];
	_ =	sdelay $0x3  }
0x36: {  	p1 =	seq.s32 s10, $0x1;
	s10 =	sld [smem:$0x3FBA];
	_ =	sdelay $0x3  }
0x37: {  	[smem:$0x3FBA] =	sst s10  }
0x38: {  	s10 =	sld [smem:$0x3FBB]  }
0x39: {  	_ = 	snop;
	(pc) =	sbr.ind lr, $3  }
0x3a: {  	_ = 	snop  }
0x3b: {  	_ = 	snop  }
0x3c: {  	p2 =	seq.s32 s10, $0x1;
	s10 =	sld [smem:$0x3FBA]  }
0x3d: {  	_ =	shalt  }
0x3e: {  	_ =	shalt  }
0x3f: {  	_ =	shalt  }
0x40: {  	_ =	shalt  }
0x41: {  	_ =	shalt  }
0x42: {  	_ =	shalt  }
0x43: {  	_ =	shalt  }
0x44: {  	_ =	shalt  }
0x45: {  	_ =	shalt  }
0x46: {  	_ =	shalt  }
0x47: {  	_ =	shalt  }
0x48: {  	_ =	shalt  }
0x49: {  	_ =	shalt  }
0x4a: {  	_ =	shalt  }
0x4b: {  	_ =	shalt  }
0x4c: {  	_ =	shalt  }
0x4d: {  	_ =	shalt  }
0x4e: {  	_ =	shalt  }
0x4f: {  	_ =	shalt  }
0x50: {  	_ =	shalt  }
0x51: {  	_ =	shalt  }
0x52: {  	_ =	shalt  }
0x53: {  	_ =	shalt  }
0x54: {  	_ =	shalt  }
0x55: {  	_ =	shalt  }
0x56: {  	_ =	shalt  }
0x57: {  	_ =	shalt  }
0x58: {  	_ =	shalt  }
0x59: {  	_ =	shalt  }
0x5a: {  	_ =	shalt  }
0x5b: {  	_ =	shalt  }
0x5c: {  	_ =	shalt  }
0x5d: {  	_ =	shalt  }
0x5e: {  	_ =	shalt  }
0x5f: {  	_ =	shalt  }
0x60: {  	_ =	shalt  }
0x61: {  	_ =	shalt  }
0x62: {  	_ =	shalt  }
0x63: {  	_ =	shalt  }
0x64: {  	_ =	shalt  }
0x65: {  	_ =	shalt  }
0x66: {  	_ =	shalt  }
0x67: {  	_ =	shalt  }
0x68: {  	_ =	shalt  }
0x69: {  	_ =	shalt  }
0x6a: {  	_ =	shalt  }
0x6b: {  	_ =	shalt  }
0x6c: {  	_ =	shalt  }
0x6d: {  	_ =	shalt  }
0x6e: {  	_ =	shalt  }
0x6f: {  	_ =	shalt  }
0x70: {  	_ =	shalt  }
0x71: {  	_ =	shalt  }
0x72: {  	_ =	shalt  }
0x73: {  	_ =	shalt  }
0x74: {  	_ =	shalt  }
0x75: {  	_ =	shalt  }
0x76: {  	_ =	shalt  }
0x77: {  	_ =	shalt  }
0x78: {  	_ =	shalt  }
0x79: {  	_ =	shalt  }
0x7a: {  	_ =	shalt  }
0x7b: {  	_ =	shalt  }
0x7c: {  	_ =	shalt  }
0x7d: {  	_ =	shalt  }
0x7e: {  	_ =	shalt  }
0x7f: {  	_ =	shalt  }
0x80: {  	_ =	shalt  }
0x81: {  	_ =	shalt  }
0x82: {  	_ =	shalt  }
0x83: {  	_ =	shalt  }
0x84: {  	_ =	shalt  }
0x85: {  	_ =	shalt  }
0x86: {  	_ =	shalt  }
0x87: {  	_ =	shalt  }
.Lfunc_end0:
.L_simem_size_0:
called_computation_lowered:
.L_overlay_start_0:
0x88: {  	s2 =	sld [smem:$0x3FD9]  }
0x89: {  	s3 =	sld [smem:$0x3FFE];
	_ =	sdelay $0x1  }
0x8a: {  	s1 =	srdreg.scid  }
0x8b: {  	s0 =	sand.u32 $0x1, s1  }
0x8c: {  	s17 =	sshll.u32 s0, $0xA;
	s2 =	sadd.s32 s3, s2  }
0x8d: {  	s2 =	sadd.s32 s2, s17  }
0x8e: {  	[smem:$0x3FC6] =	sst s2  }
0x8f: {  	_ = 	snop  }
0x90: {  	s2 =	sld [smem:$0x3FC9]  }
0x91: {  	s18 =	sld [smem:$0x3FD0];
	(tm) =	ssettm $0x1  }
0x92: {  	s4 =	sld [smem:$0x3FFB];
	_ =	sdelay $0x3  }
0x93: {  	_ =	strace s4  }
0x94: {  	s4 =	sld [smem:$0x3FFC];
	_ =	sdelay $0x3  }
0x95: {  	_ =	strace s4  }
0x96: {  	s4 =	sld [smem:$0x3FFD];
	_ =	sdelay $0x3  }
0x97: {  	_ =	strace s4  }
0x98: {  	_ =	strace $0x8FFFFFFF  }
0x99: {  	s19 =	sld [smem:$0x3FDB];
	_ =	sdelay $0x1  }
0x9a: {  	s5 =	simm.s32 $_scs_section_size  }
0x9b: {  	s6 =	simm.s32 $_size__tile_overlayer_lowered;
	s7 =	simm.s32 $_tile_overlayer_lowered  }
0x9c: {  	s22 =	simm.s32 $0x1BFF;
	s21 =	sshll.u32 s7, $0x1;
	s4 =	sadd.s32 s5, s19  }
0x9d: {  	s8 =	simm.s32 $0x0;
	s20 =	sshll.u32 s6, $0x1;
	s6 =	sadd.s32 s21, s4  }
0x9e: {  	[timem:s8], [sflag:s22] =	dma.local [hbm:s6], s20  }
0x9f: {  	_ =	swait.ge [sflag:s22], s20  }
0xa0: {  	s5 =	ssub.s32 $0x0, s20;
	[sflag:s22] =	ssyncset.done $0x0  }
0xa1: {  	[sflag:s22] =	ssyncadd.s32 s5;
	_ =	sdelay $0x1  }
0xa2: {  	s23 =	simm.s32 $0x1B8B  }
0xa3: {  	_ =	swait.ge [sflag:s23], $0x1  }
0xa4: {  	[sflag:s23] =	ssyncset.done $0x0  }
0xa5: {  	s25 =	simm.s32 $0x1B8E;
	s24 =	sld [smem:$0x3FFE];
	[sflag:s23] =	ssyncadd.s32 $0xFFFFFFFF  }
0xa6: {  	s26 =	simm.s32 $execute0_lowered;
	[smem:$0x3FD2] =	sst s25  }
0xa7: {  	s6 =	sshll.u32 s26, $0x1;
	_ =	strace $0x80000046;
	[dreg:$0x1] =	wrdreg $0xFFFFFFFF  }
0xa8: {  	s28 =	simm.s32 $_size_execute0_lowered;
	s4 =	sadd.s32 s4, s6;
	[dreg:$0x0] =	wrdreg $0x0  }
0xa9: {  	s6 =	sshll.u32 s28, $0x1;
	[dreg:$0x2] =	wrdreg s4  }
0xaa: {  	[dreg:$0x3] =	wrdreg s6  }
0xab: {  	[dreg:$0x4] =	wrdreg $0xC0  }
0xac: {  	_ =	task [dreg:s8], $0x5FFFF  }
0xad: {  	[dreg:$0x1] =	wrdreg $0xFFFFFFFF  }
0xae: {  	[dreg:$0x0] =	wrdreg $0x60  }
0xaf: {  	[dreg:$0x2] =	wrdreg s2  }
0xb0: {  	[dreg:$0x3] =	wrdreg s24  }
0xb1: {  	[dreg:$0x4] =	wrdreg s18  }
0xb2: {  	[dreg:$0x5] =	wrdreg $0x9  }
0xb3: {  	_ =	task.clear_ibuf [dreg:s8], $0x6FFFF;
	_ =	strace $0x90000046  }
0xb4: {  	s29 =	simm.s32 $0x9;
	_ =	strace $0x80000048  }
0xb5: {  	_ =	swait.ge [sflag:s29], $0x1  }
0xb6: {  	[sflag:s29] =	ssyncadd.s32 $0xFFFFFFFF  }
0xb7: {  	_ =	strace $0x90000048  }
0xb8: {  	_ =	sfence  }
0xb9: {  	s30 =	sld [smem:$0x0];
	_ =	sdelay $0x2  }
0xba: {  	s31 =	sshll.u32 s1, $0xD;
	s1 =	sshrl.u32 s1, $0x2  }
0xbb: {  	s3 =	sand.u32 $0x4000, s31;
	s1 =	sadd.s32 s1, s30  }
0xbc: {  	s0 =	sor.u32 s3, s0;
	s1 =	sshll.u32 s1, $0x11  }
0xbd: {  	s0 =	sor.u32 s1, s0  }
0xbe: {  	s0 =	sadd.s32 $0x8F2B, s0  }
0xbf: {  	[sflag:s0] =	ssyncadd.remote.s32 $0x1  }
0xc0: {  	_ =	sfence.sel $0xFFFF  }
0xc1: {  	[dreg:$0x0] =	wrdreg $0xFFFFFFFF;
	(pc) =	sbr.abs _section_cstart, $3  }
0xc2: {  	[dreg:$0x1] =	wrdreg $0xFFFFFFFF  }
0xc3: {  	_ =	task.clear_ibuf [dreg:s8], $0x2FFFF;
	_ =	strace $0x9FFFFFFF  }
0xc4: {  	(tm) =	ssettm $0x7FFFFFFF  }
0xc5: {  	_ =	shalt  }
tec
execute0_lowered:
.L_overlay_start_1:
0x0: {  	(tag) =	ssettag $0x1  }
0x1: {  	s0 =	rddreg [dreg:$0x0]  }
0x2: {  	s1 =	rddreg [dreg:$0x1]  }
0x3: {  	s2 =	rddreg [dreg:$0x2]  }
0x4: {  	s3 =	srdreg.scid;
	s5 =	stileid.u32;
	s9 =	simm.s32 $0x400  }
0x5: {  	s10 =	simm.s32 $0x8000;
	s11 =	simm.s32 $0x9400;
	s12 =	simm.s32 $0x3  }
0x6: {  	s13 =	simm.s32 $0x9800;
	s14 =	simm.s32 $0xCD80;
	s15 =	simm.s32 $0xD580  }
0x7: {  	s16 =	simm.s32 $0x1;
	s17 =	simm.s32 $0x2;
	s4 =	sand.u32 $0x1, s3  }
0x8: {  	s18 =	simm.s32 $0x0;
	s5 =	sshll.u32 s5, $0xB;
	s6 =	sshll.u32 s4, $0xA  }
0x9: {  	s3 =	simm.s32 $0x0;
	s7 =	ssub.s32 $0x2, s4;
	s4 =	sor.u32 s6, s5  }
0xa: {  	[smem:$0x7FF] =	sst s3;
	s30 =	sshrl.u32 s7, $0x1;
	s8 =	sshrl.u32 s4, $0x3  }
0xb: {  	_ =	strace $0x80000047;
	s31 =	ssub.s32 s7, s30;
	s6 =	sadd.s32 s0, s8  }
0xc: {  	v0 =	vimm.s32 $0xFFFFFFBC;
	v1 =	vimm.s32 $0x11;
	s5 =	sadd.s32 $0x400, s1;
	s8 =	smax.u32 s31, $0x1;
	s7 =	sadd.s32 $0x25000, s6  }
.LBB2_1:
0xd: {  	[tilespmem:s3], [sflag:$0x3] =	stream.strided.gather [hbm4b:s6+s9], $0x9400, s10, s9, $0x38;
	[tilespmem:$0xDD80] =	vst v63  }
0xe: {  	_ = 	snop  }
0xf: {  	[tilespmem:s11], [sflag:$0x3] =	stream.linear.gather [hbm4b:s7+s3], $0x200, $0x38;
	[tilespmem:$0xDD80] =	vst v63  }
0x10: {  	_ =	swait.ge [sflag:s12], $0x9600  }
0x11: {  	[sflag:s12] =	ssyncset.done $0x0  }
0x12: {  	[sflag:s12] =	ssyncadd.s32 $0xFFFF6A00  }
0x13: {  	[tilespmem:s13], [sflag:$0x3] =	stream.linear.gather [hbm4b:s5+s3], $0x3580, $0x38;
	[tilespmem:$0xDD80] =	vst v63  }
0x14: {  	_ =	swait.ge [sflag:s12], $0x3580  }
0x15: {  	[sflag:s12] =	ssyncset.done $0x0  }
0x16: {  	s19 =	simm.s32 $0x0;
	[sflag:s12] =	ssyncadd.s32 $0xFFFFCA80  }
.LBB2_2:
0x17: {  	p0 =	seq.s32 s19, $0x0  }
0x18: {  	s0 =	smul.u32 $0x110, s19;
	s1 =	simm.s32 @!p0 $0x1  }
0x19: {  	s21 =	smul.u32 $0xC00, s19;
	_ =	swait.ge @!p0 [sflag:s1], $0x800  }
0x1a: {  	[sflag:s1] =	ssyncset.done @!p0 $0x0  }
0x1b: {  	s22 =	sadd.s32 $0x77, s0;
	s23 =	sshra.s32 s21, $0x2;
	[sflag:s1] =	ssyncadd.s32 @!p0 $0xFFFFF800  }
0x1c: {  	s20 =	sshllo.u32 s19, $0x1;
	v3 =	vmov s0;
	s31 =	sor.u32 $0x80, s23;
	s24 =	sadd.s32 $0x100, s23;
	v2 =	vmov s22;
	v4 =	vld [tilespmem:s0+$0x9877]  }
0x1d: {  	p2 =	por $0x1, $0x1;
	s21 =	simm.s32 $0x0;
	v5 =	vmov s23;
	v6 =	vmov s31;
	v7 =	vmov s24;
	s0 =	simm.s32 $0x0  }
.LBB2_3:
0x1e: {  	_ =	sdelay $0x3  }
0x1f: {  	v8 =	vld.idx.msk [tilespmem:v5+s0+$0x0 ss:$0x1], $0xffff  }
0x20: {  	v9 =	vld.idx.msk [tilespmem:v6+s0+$0x0 ss:$0x1], $0xffff  }
0x21: {  	v10 =	vld.idx.msk [tilespmem:v7+s0+$0x0 ss:$0x1], $0xffff;
	_ =	sdelay $0x3  }
0x22: {  	s1 =	sor.u32 $0x10, s0;
	v11 =	vmin.f32 v8, v9;
	v12 =	vmax.f32 v8, v9  }
0x23: {  	v15 =	vld.idx.msk [tilespmem:v5+s1+$0x0 ss:$0x1], $0xffff;
	vm0 =	vle.f32 v8, v9;
	vm1 =	vle.f32 v8, v10;
	vm2 =	vle.f32 v9, v10  }
0x24: {  	v8 =	vld.idx.msk [tilespmem:v6+s1+$0x0 ss:$0x1], $0xffff;
	v17 =	vmin.f32 v11, v10;
	v13 =	vmax.f32 v12, v10;
	v12 =	vmin.f32 v12, v10  }
0x25: {  	vm3 =	vmand vm0, vm1;
	v10 =	vsel vm2, $0xFFFFFFDE, v0;
	v9 =	vmax.f32 v11, v12;
	v11 =	vld.idx.msk [tilespmem:v7+s1+$0x0 ss:$0x1], $0xffff  }
0x26: {  	vm1 =	vmand vm1, vm2;
	v10 =	vsel vm3, $0xFFFFFFEF, v10;
	v12 =	vsel vm0, $0x22, v1  }
0x27: {  	s29 =	simm.s32 $0x1;
	v19 =	vsub.f32 v9, v17;
	v20 =	vadd.s32 v2, v10;
	v10 =	vsel vm1, $0x44, v12  }
0x28: {  	v18 =	vsub.f32 v13, v9;
	v21 =	vadd.s32 v3, v10;
	v23 =	vadd.s32 s29, v20  }
0x29: {  	v24 =	vadd.s32 $0x2, v21;
	v9 =	vmin.f32 v15, v8;
	v10 =	vmax.f32 v15, v8  }
0x2a: {  	s24 =	sor.u32 $0x20, s0;
	vm14 =	vle.f32 v15, v8;
	v58 =	vadd.s32 s21, v24;
	v14 =	vmin.f32 v9, v11  }
0x2b: {  	v13 =	vld.idx.msk [tilespmem:v5+s24+$0x0 ss:$0x1], $0xffff;
	v12 =	vmax.f32 v10, v11;
	v10 =	vmin.f32 v10, v11;
	vm15 =	vle.f32 v15, v11  }
0x2c: {  	vm6 =	vle.f32 v8, v11;
	v8 =	vld.idx.msk [tilespmem:v6+s24+$0x0 ss:$0x1], $0xffff;
	v9 =	vmax.f32 v9, v10;
	vm7 =	vmand vm14, vm15  }
0x2d: {  	vm1 =	vmand vm15, vm6;
	v11 =	vsel vm6, $0xFFFFFFDE, v0;
	v16 =	vsub.f32 v9, v14  }
0x2e: {  	v10 =	vld.idx.msk [tilespmem:v7+s24+$0x0 ss:$0x1], $0xffff;
	v15 =	vsub.f32 v12, v9;
	v9 =	vsel vm7, $0xFFFFFFEF, v11;
	v11 =	vsel vm14, $0x22, v1  }
0x2f: {  	s24 =	simm.s32 $0x2;
	v29 =	vadd.s32 v2, v9;
	v9 =	vsel vm1, $0x44, v11;
	v11 =	vadd.s32 s29, v21  }
0x30: {  	v22 =	vadd.s32 $0x2, v20;
	v44 =	vmov s24;
	v30 =	vadd.s32 $0x2, v29  }
0x31: {  	v23 =	vld.idx.msk [tilespmem:v23+s13+$0x0], $0xffff;
	v26 =	vadd.s32 v3, v9;
	v35 =	vadd.s32 s29, v29;
	v12 =	vmax.f32 v13, v8  }
0x32: {  	v27 =	vadd.s32 $0x2, v26;
	v25 =	vmin.f32 v13, v8;
	vm8 =	vle.f32 v13, v8  }
0x33: {  	v63 =	vld.idx.msk [tilespmem:v58+s13+$0x0], $0xffff;
	v28 =	vmin.f32 v12, v10;
	v9 =	vmin.f32 v25, v10;
	v12 =	vmax.f32 v12, v10  }
0x34: {  	vm9 =	vle.f32 v13, v10;
	vm10 =	vle.f32 v8, v10;
	v10 =	vmov s29;
	v13 =	vld.idx.msk [tilespmem:v11+s13+$0x0], $0xffff  }
0x35: {  	v36 =	vadd.s32 s29, v26;
	v58 =	vadd.s32 s21, v30;
	v8 =	vld.idx.msk [tilespmem:v20+s13+$0x0], $0xffff;
	v40 =	vperm.xlane v4, v10  }
0x36: {  	v25 =	vmax.f32 v25, v28;
	v28 =	vmov s21;
	v32 =	vmul.f32 v23, v19  }
0x37: {  	v31 =	vld.idx.msk [tilespmem:v21+s13+$0x0], $0xffff;
	v52 =	vsel vm8, $0x22, v1;
	v39 =	vperm.xlane v4, v28;
	v28 =	vmul.f32 v40, v17  }
0x38: {  	s25 =	sor.u32 $0x30, s0;
	vm11 =	vmand vm8, vm9;
	v11 =	vsub.f32 v25, v9;
	v10 =	vsub.f32 v12, v25  }
0x39: {  	v33 =	vld.idx.msk [tilespmem:v6+s25+$0x0 ss:$0x1], $0xffff;
	v12 =	vsel vm10, $0xFFFFFFDE, v0;
	v32 =	vadd.f32 v32, v28;
	v13 =	vmul.f32 v13, v18  }
0x3a: {  	s26 =	sshll.u32 s0, $0x2;
	v25 =	vld.idx.msk [tilespmem:v5+s25+$0x0 ss:$0x1], $0xffff;
	v12 =	vsel vm11, $0xFFFFFFEF, v12;
	v34 =	vmul.f32 v39, v17;
	v8 =	vmul.f32 v8, v19  }
0x3b: {  	s0 =	sshra.s32 s26, $0x2;
	vm1 =	vmand vm9, vm10;
	v23 =	vadd.s32 v2, v12;
	v12 =	vld.idx.msk [tilespmem:v7+s25+$0x0 ss:$0x1], $0xffff;
	v13 =	vadd.f32 v13, v32  }
0x3c: {  	s22 =	sadd.s32 $0xCE00, s0;
	v31 =	vmul.f32 v31, v18;
	v43 =	vmul.f32 v40, v14;
	v8 =	vadd.f32 v8, v34  }
0x3d: {  	v53 =	vsel vm1, $0x44, v52;
	s25 =	simm.s32 $0x3;
	v45 =	vmul.f32 v39, v14;
	v49 =	vmul.f32 v39, v9;
	[tilespmem:s22+$0x0] =	vst v13  }
0x3e: {  	v28 =	vadd.s32 $0x2, v23;
	v55 =	vadd.s32 s25, v20;
	v37 =	vadd.f32 v31, v8;
	v35 =	vld.idx.msk [tilespmem:v35+s13+$0x0], $0xffff  }
0x3f: {  	v42 =	vadd.s32 s25, v21;
	v54 =	vmin.f32 v25, v33;
	v38 =	vmax.f32 v25, v33  }
0x40: {  	vm12 =	vle.f32 v25, v33;
	vm13 =	vle.f32 v25, v12;
	v25 =	vadd.s32 s21, v22;
	[tilespmem:s22+$0xFFFFFF80] =	vst v37;
	v56 =	vld.idx.msk [tilespmem:v36+s13+$0x0], $0xffff  }
0x41: {  	v60 =	vadd.s32 s29, v23;
	v62 =	vmov s25;
	v31 =	vadd.s32 v3, v53;
	v37 =	vld.idx.msk [tilespmem:v29+s13+$0x0], $0xffff  }
0x42: {  	v8 =	vmin.f32 v54, v12;
	v41 =	vmax.f32 v38, v12;
	vm14 =	vle.f32 v33, v12  }
0x43: {  	vm15 =	vmand vm12, vm13;
	v59 =	vsel vm14, $0xFFFFFFDE, v0;
	v57 =	vld.idx.msk [tilespmem:v26+s13+$0x0], $0xffff;
	v35 =	vmul.f32 v35, v16  }
0x44: {  	v48 =	vadd.s32 s29, v31;
	v13 =	vmin.f32 v38, v12;
	v38 =	vld.idx.msk [tilespmem:v55+s13+$0x0], $0xffff;
	v50 =	vsel vm15, $0xFFFFFFEF, v59  }
0x45: {  	v34 =	vmax.f32 v54, v13;
	v46 =	vld.idx.msk [tilespmem:v25+s13+$0x0], $0xffff;
	v33 =	vmul.f32 v56, v15;
	v25 =	vadd.f32 v35, v43  }
0x46: {  	v42 =	vld.idx.msk [tilespmem:v42+s13+$0x0], $0xffff;
	v13 =	vsub.f32 v34, v8;
	v12 =	vsub.f32 v41, v34;
	v37 =	vmul.f32 v37, v16  }
0x47: {  	v34 =	vadd.s32 v2, v50;
	v47 =	vadd.f32 v33, v25;
	v25 =	vperm.xlane v4, v62  }
0x48: {  	v36 =	vmul.f32 v57, v15;
	v61 =	vadd.f32 v37, v45;
	v33 =	vperm.xlane v4, v44  }
0x49: {  	v50 =	vadd.s32 s24, v24;
	v38 =	vmul.f32 v38, v19;
	v37 =	vmul.f32 v25, v17  }
0x4a: {  	v52 =	vmul.f32 v46, v19;
	v36 =	vadd.f32 v36, v61;
	[tilespmem:s22+$0x10] =	vst v47;
	v51 =	vmul.f32 v33, v17  }
0x4b: {  	v54 =	vmul.f32 v42, v18;
	v56 =	vadd.s32 s25, v29;
	v43 =	vld.idx.msk [tilespmem:v60+s13+$0x0], $0xffff;
	v37 =	vadd.f32 v38, v37  }
0x4c: {  	v53 =	vsel vm12, $0x22, v1;
	v55 =	vmul.f32 v63, v18;
	[tilespmem:s22+$0xFFFFFF90] =	vst v36;
	v47 =	vld.idx.msk [tilespmem:v48+s13+$0x0], $0xffff;
	v41 =	vadd.f32 v52, v51  }
0x4d: {  	v32 =	vadd.s32 $0x2, v31;
	v46 =	vld.idx.msk [tilespmem:v23+s13+$0x0], $0xffff;
	v60 =	vadd.s32 s25, v26;
	v37 =	vadd.f32 v54, v37  }
0x4e: {  	s28 =	simm.s32 $0x5;
	s23 =	sadd.s32 $0x100, s22;
	vm1 =	vmand vm13, vm14;
	v61 =	vadd.s32 s21, v27;
	v59 =	vld.idx.msk [tilespmem:v31+s13+$0x0], $0xffff;
	v41 =	vadd.f32 v55, v41  }
0x4f: {  	v57 =	vsel vm1, $0x44, v53;
	v53 =	vadd.s32 s28, v21;
	v50 =	vld.idx.msk [tilespmem:v50+s13+$0x0], $0xffff;
	v52 =	vadd.s32 s28, v20;
	[tilespmem:s23+$0x0] =	vst v37  }
0x50: {  	v62 =	vmul.f32 v40, v9;
	v51 =	vadd.s32 s24, v22;
	v43 =	vmul.f32 v43, v11;
	[tilespmem:s23+$0xFFFFFF80] =	vst v41;
	v63 =	vld.idx.msk [tilespmem:v56+s13+$0x0], $0xffff  }
0x51: {  	v35 =	vadd.s32 $0x2, v34;
	v36 =	vadd.s32 v3, v57;
	v57 =	vmul.f32 v47, v10;
	v44 =	vld.idx.msk [tilespmem:v58+s13+$0x0], $0xffff  }
0x52: {  	v56 =	vmul.f32 v46, v11;
	v58 =	vadd.s32 s29, v34;
	v48 =	vld.idx.msk [tilespmem:v60+s13+$0x0], $0xffff;
	v43 =	vadd.f32 v43, v62  }
0x53: {  	v40 =	vmul.f32 v40, v8;
	v38 =	vmul.f32 v59, v10;
	v59 =	vadd.s32 s29, v36;
	v42 =	vld.idx.msk [tilespmem:v61+s13+$0x0], $0xffff  }
0x54: {  	s26 =	simm.s32 $0x4;
	v54 =	vadd.s32 s21, v28;
	v52 =	vld.idx.msk [tilespmem:v52+s13+$0x0], $0xffff;
	v45 =	vadd.f32 v56, v49;
	v43 =	vadd.f32 v57, v43  }
0x55: {  	v61 =	vmov s26;
	v51 =	vld.idx.msk [tilespmem:v51+s13+$0x0], $0xffff;
	v62 =	vmul.f32 v25, v14;
	v49 =	vmul.f32 v39, v8  }
0x56: {  	v45 =	vadd.f32 v38, v45;
	v38 =	vperm.xlane v4, v61;
	[tilespmem:s22+$0x20] =	vst v43;
	v41 =	vmul.f32 v63, v16  }
0x57: {  	v61 =	vadd.s32 s25, v23;
	v63 =	vmul.f32 v33, v14;
	v44 =	vmul.f32 v44, v16;
	v43 =	vld.idx.msk [tilespmem:v58+s13+$0x0], $0xffff  }
0x58: {  	v60 =	vmul.f32 v48, v15;
	v42 =	vmul.f32 v42, v15;
	v46 =	vld.idx.msk [tilespmem:v59+s13+$0x0], $0xffff;
	v39 =	vadd.f32 v41, v62  }
0x59: {  	v55 =	vadd.s32 s21, v32;
	v52 =	vmul.f32 v52, v19;
	v56 =	vmul.f32 v38, v17;
	[tilespmem:s22+$0xFFFFFFA0] =	vst v45;
	v45 =	vld.idx.msk [tilespmem:v53+s13+$0x0], $0xffff  }
0x5a: {  	v44 =	vadd.f32 v44, v63;
	v62 =	vmov s28;
	v41 =	vadd.f32 v60, v39  }
0x5b: {  	v58 =	vmul.f32 v50, v18;
	v63 =	vadd.s32 s25, v31;
	v57 =	vld.idx.msk [tilespmem:v34+s13+$0x0], $0xffff;
	v39 =	vperm.xlane v4, v62  }
0x5c: {  	v37 =	vadd.s32 $0x2, v36;
	v42 =	vadd.f32 v42, v44;
	v44 =	vld.idx.msk [tilespmem:v36+s13+$0x0], $0xffff;
	[tilespmem:s23+$0x10] =	vst v41;
	v59 =	vmul.f32 v43, v13  }
0x5d: {  	v47 =	vadd.s32 s24, v30;
	v60 =	vmul.f32 v39, v17;
	v48 =	vld.idx.msk [tilespmem:v61+s13+$0x0], $0xffff;
	v61 =	vmul.f32 v51, v19  }
0x5e: {  	v43 =	vadd.s32 s24, v27;
	[tilespmem:s23+$0xFFFFFF90] =	vst v42;
	v62 =	vmul.f32 v46, v12;
	v45 =	vmul.f32 v45, v18  }
0x5f: {  	v46 =	vld.idx.msk [tilespmem:v54+s13+$0x0], $0xffff;
	v54 =	vadd.s32 s28, v29;
	v50 =	vadd.f32 v52, v60;
	v42 =	vadd.f32 v61, v56  }
0x60: {  	v53 =	vld.idx.msk [tilespmem:v63+s13+$0x0], $0xffff;
	v63 =	vmul.f32 v57, v13;
	v51 =	vadd.s32 s26, v24;
	v40 =	vadd.f32 v59, v40  }
0x61: {  	v60 =	vadd.f32 v45, v50;
	v50 =	vadd.s32 s28, v26;
	v56 =	vadd.f32 v58, v42;
	v42 =	vld.idx.msk [tilespmem:v55+s13+$0x0], $0xffff  }
0x62: {  	s29 =	sadd.s32 $0x100, s23;
	v61 =	vmul.f32 v44, v12;
	v44 =	vmul.f32 v33, v9;
	v49 =	vadd.f32 v63, v49  }
0x63: {  	v41 =	vadd.f32 v62, v40;
	v62 =	vmul.f32 v25, v9;
	[tilespmem:s29+$0x0] =	vst v60;
	v63 =	vmul.f32 v48, v11  }
0x64: {  	p1 =	por p2, p2;
	s31 =	simm.s32 $0x7;
	v52 =	vadd.s32 s26, v22;
	v40 =	vadd.f32 v61, v49;
	v46 =	vmul.f32 v46, v11;
	[tilespmem:s29+$0xFFFFFF80] =	vst v56;
	v48 =	vld.idx.msk [tilespmem:v54+s13+$0x0], $0xffff  }
0x65: {  	s30 =	simm.s32 $0x0;
	s0 =	simm.s32 $0x6;
	s1 =	simm.s32 $0x8;
	[tilespmem:s22+$0x30] =	vst v41;
	v41 =	vadd.s32 s25, v34;
	v49 =	vld.idx.msk [tilespmem:v47+s13+$0x0], $0xffff;
	v45 =	vadd.f32 v63, v62;
	v47 =	vmul.f32 v53, v10  }
.LBB2_4:
0x66: {  	p2 =	slt.u32 s1, $0xE;
	v53 =	vadd.s32 s31, v20;
	v50 =	vld.idx.msk [tilespmem:v50+s13+$0x0], $0xffff;
	v44 =	vadd.f32 v46, v44;
	v42 =	vmul.f32 v42, v10;
	[tilespmem:s22+$0xFFFFFFB0] =	vst v40;
	s22 =	smov.u32 s23;
	s23 =	smov.u32 s29  }
0x67: {  	v46 =	vadd.s32 s24, v28;
	v40 =	vld.idx.msk [tilespmem:v43+s13+$0x0], $0xffff;
	v43 =	vadd.f32 v47, v45;
	v45 =	vadd.s32 s25, v36;
	s25 =	smov.u32 s28;
	s28 =	smov.u32 s31  }
0x68: {  	v47 =	vmov s0;
	v51 =	vld.idx.msk [tilespmem:v51+s13+$0x0], $0xffff;
	v54 =	vadd.s32 s28, v21;
	v42 =	vadd.f32 v42, v44  }
0x69: {  	v44 =	vperm.xlane v4, v47;
	v47 =	vld.idx.msk [tilespmem:v52+s13+$0x0], $0xffff;
	v52 =	vmul.f32 v33, v8;
	[tilespmem:s22+$0x20] =	vst v43;
	v43 =	vadd.s32 s30, v35  }
0x6a: {  	v55 =	vmul.f32 v39, v14;
	v48 =	vmul.f32 v48, v16;
	[tilespmem:s22+$0xFFFFFFA0] =	vst v42;
	v41 =	vld.idx.msk [tilespmem:v41+s13+$0x0], $0xffff;
	v42 =	vadd.s32 s30, v37;
	s30 =	smov.u32 s24;
	s24 =	smov.u32 s26;
	s26 =	smov.u32 s0  }
0x6b: {  	v56 =	vmul.f32 v38, v14;
	v33 =	vmovc v38;
	v49 =	vmul.f32 v49, v16;
	s0 =	smov.u32 s1;
	v53 =	vld.idx.msk [tilespmem:v53+s13+$0x0], $0xffff;
	v57 =	vadd.s32 s30, v32  }
0x6c: {  	v38 =	vmovc v44;
	v48 =	vadd.f32 v48, v55;
	v50 =	vmul.f32 v50, v15;
	v55 =	vadd.s32 s25, v23;
	v45 =	vld.idx.msk [tilespmem:v45+s13+$0x0], $0xffff  }
0x6d: {  	v44 =	vmul.f32 v38, v17;
	v49 =	vadd.f32 v49, v56;
	v40 =	vmul.f32 v40, v15;
	v54 =	vld.idx.msk [tilespmem:v54+s13+$0x0], $0xffff  }
0x6e: {  	v56 =	vmov s28;
	v48 =	vadd.f32 v50, v48;
	v50 =	vadd.s32 s25, v31;
	v58 =	vld.idx.msk [tilespmem:v43+s13+$0x0], $0xffff  }
0x6f: {  	v51 =	vmul.f32 v51, v18;
	v56 =	vperm.xlane v4, v56;
	v40 =	vadd.f32 v40, v49;
	v49 =	vld.idx.msk [tilespmem:v42+s13+$0x0], $0xffff  }
0x70: {  	v59 =	vadd.s32 s24, v30;
	v42 =	vmul.f32 v25, v8;
	v41 =	vmul.f32 v41, v13;
	v25 =	vmovc v39;
	[tilespmem:s29+$0x10] =	vst v48  }
0x71: {  	v43 =	vadd.s32 s24, v27;
	v60 =	vmul.f32 v56, v17;
	v48 =	vmul.f32 v53, v19;
	[tilespmem:s29+$0xFFFFFF90] =	vst v40;
	v40 =	vld.idx.msk [tilespmem:v55+s13+$0x0], $0xffff  }
0x72: {  	v47 =	vmul.f32 v47, v19;
	v41 =	vadd.f32 v41, v42;
	v45 =	vmul.f32 v45, v12;
	v46 =	vld.idx.msk [tilespmem:v46+s13+$0x0], $0xffff  }
0x73: {  	v39 =	vmovc v56;
	v48 =	vadd.f32 v48, v60;
	v53 =	vmul.f32 v54, v18;
	v54 =	vadd.s32 s28, v29;
	v55 =	vld.idx.msk [tilespmem:v50+s13+$0x0], $0xffff  }
0x74: {  	v44 =	vadd.f32 v47, v44;
	v47 =	vmul.f32 v58, v13;
	v41 =	vadd.f32 v45, v41;
	v42 =	vld.idx.msk [tilespmem:v57+s13+$0x0], $0xffff  }
.Ltmp0:
0x75: {  	v50 =	vadd.s32 s28, v26;
	v45 =	vadd.f32 v53, v48;
	v49 =	vmul.f32 v49, v12;
	(pc) =	sbr.rel @p2 .LBB2_4-.Ltmp0, $4  }
0x76: {  	s29 =	sadd.s32 $0x100, s29;
	v48 =	vadd.f32 v51, v44;
	v44 =	vmul.f32 v33, v9;
	v47 =	vadd.f32 v47, v52;
	[tilespmem:s22+$0x30] =	vst v41  }
0x77: {  	v51 =	vadd.s32 s26, v24;
	v41 =	vmul.f32 v25, v9;
	[tilespmem:s29+$0x0] =	vst v45;
	v45 =	vmul.f32 v40, v11  }
0x78: {  	v52 =	vadd.s32 s26, v22;
	v46 =	vmul.f32 v46, v11;
	v40 =	vadd.f32 v49, v47;
	[tilespmem:s29+$0xFFFFFF80] =	vst v48;
	v48 =	vld.idx.msk [tilespmem:v54+s13+$0x0], $0xffff  }
0x79: {  	s1 =	sadd.s32 $0x2, s1;
	s31 =	sadd.s32 $0x1, s0;
	v47 =	vmul.f32 v55, v10;
	v49 =	vld.idx.msk [tilespmem:v59+s13+$0x0], $0xffff;
	v45 =	vadd.f32 v45, v41;
	v41 =	vadd.s32 s25, v34  }
0x7a: {  	v20 =	vadd.s32 s31, v20;
	_ =	sdelay $0x1  }
0x7b: {  	v21 =	vadd.s32 s31, v21;
	_ =	sdelay $0x1  }
0x7c: {  	v24 =	vld.idx.msk [tilespmem:v52+s13+$0x0], $0xffff  }
0x7d: {  	v22 =	vld.idx.msk [tilespmem:v20+s13+$0x0], $0xffff  }
0x7e: {  	v53 =	vmov s0;
	v51 =	vld.idx.msk [tilespmem:v51+s13+$0x0], $0xffff  }
0x7f: {  	v59 =	vmov s31;
	v58 =	vld.idx.msk [tilespmem:v21+s13+$0x0], $0xffff;
	v20 =	vperm.xlane v4, v53  }
0x80: {  	v21 =	vperm.xlane v4, v59  }
0x81: {  	v62 =	vmul.f32 v24, v19;
	v61 =	vmul.f32 v20, v17  }
0x82: {  	v60 =	vmul.f32 v21, v17;
	v22 =	vmul.f32 v22, v19  }
0x83: {  	v30 =	vadd.s32 s26, v30;
	v52 =	vmul.f32 v51, v18;
	v17 =	vadd.f32 v62, v61  }
0x84: {  	v29 =	vadd.s32 s31, v29;
	v50 =	vld.idx.msk [tilespmem:v50+s13+$0x0], $0xffff;
	v63 =	vmul.f32 v58, v18;
	v22 =	vadd.f32 v22, v60  }
0x85: {  	v55 =	vadd.s32 s26, v27;
	v17 =	vadd.f32 v52, v17  }
0x86: {  	v54 =	vadd.s32 s31, v26;
	s1 =	sadd.s32 $0x100, s29;
	v53 =	vld.idx.msk [tilespmem:v43+s13+$0x0], $0xffff;
	v22 =	vadd.f32 v63, v22  }
0x87: {  	[tilespmem:s1+$0xFFFFFF80] =	vst v17  }
0x88: {  	v56 =	vmul.f32 v39, v14;
	v57 =	vmul.f32 v48, v16;
	v30 =	vld.idx.msk [tilespmem:v30+s13+$0x0], $0xffff;
	[tilespmem:s1+$0x0] =	vst v22  }
0x89: {  	v59 =	vmul.f32 v49, v16;
	v61 =	vmul.f32 v50, v15;
	v60 =	vld.idx.msk [tilespmem:v29+s13+$0x0], $0xffff  }
0x8a: {  	v62 =	vadd.s32 s28, v23;
	v58 =	vmul.f32 v38, v14;
	v18 =	vadd.f32 v57, v56;
	v26 =	vld.idx.msk [tilespmem:v55+s13+$0x0], $0xffff  }
0x8b: {  	v19 =	vmul.f32 v53, v15;
	v53 =	vmul.f32 v21, v14;
	v24 =	vld.idx.msk [tilespmem:v54+s13+$0x0], $0xffff  }
0x8c: {  	v18 =	vadd.f32 v61, v18;
	v63 =	vadd.s32 s24, v28;
	v22 =	vadd.f32 v59, v58  }
0x8d: {  	v51 =	vadd.s32 s28, v31;
	v55 =	vmul.f32 v20, v14;
	v56 =	vmul.f32 v30, v16  }
0x8e: {  	v52 =	vadd.s32 s24, v32;
	[tilespmem:s29+$0x10] =	vst v18;
	v19 =	vadd.f32 v19, v22;
	v17 =	vmul.f32 v60, v16  }
0x8f: {  	v61 =	vadd.s32 s26, v28;
	v54 =	vld.idx.msk [tilespmem:v62+s13+$0x0], $0xffff;
	v62 =	vmul.f32 v26, v15;
	v14 =	vadd.f32 v56, v55  }
0x90: {  	v59 =	vadd.s32 s31, v23;
	[tilespmem:s29+$0xFFFFFF90] =	vst v19;
	v58 =	vmul.f32 v24, v15;
	v17 =	vadd.f32 v17, v53  }
0x91: {  	v48 =	vadd.s32 s26, v32;
	v49 =	vadd.f32 v47, v45;
	v57 =	vld.idx.msk [tilespmem:v63+s13+$0x0], $0xffff;
	v14 =	vadd.f32 v62, v14  }
0x92: {  	v63 =	vadd.f32 v46, v44;
	v44 =	vadd.s32 s31, v31;
	v60 =	vld.idx.msk [tilespmem:v51+s13+$0x0], $0xffff;
	v17 =	vadd.f32 v58, v17  }
0x93: {  	v50 =	vmul.f32 v39, v9;
	v43 =	vld.idx.msk [tilespmem:v52+s13+$0x0], $0xffff;
	v46 =	vmul.f32 v42, v10;
	[tilespmem:s1+$0xFFFFFF90] =	vst v14  }
0x94: {  	v52 =	vmul.f32 v38, v9;
	v55 =	vadd.s32 s30, v37;
	v56 =	vadd.s32 s28, v34;
	v27 =	vld.idx.msk [tilespmem:v61+s13+$0x0], $0xffff;
	[tilespmem:s1+$0x10] =	vst v17  }
0x95: {  	v19 =	vmul.f32 v54, v11;
	v51 =	vadd.s32 s25, v36;
	v54 =	vadd.s32 s30, v35;
	v53 =	vld.idx.msk [tilespmem:v59+s13+$0x0], $0xffff  }
0x96: {  	v16 =	vadd.f32 v46, v63;
	v62 =	vmul.f32 v21, v9;
	v22 =	vmul.f32 v57, v11;
	v57 =	vld.idx.msk [tilespmem:v48+s13+$0x0], $0xffff  }
0x97: {  	[tilespmem:s23+$0x20] =	vst v49;
	v63 =	vadd.s32 s24, v37;
	v19 =	vadd.f32 v19, v50;
	v24 =	vmul.f32 v60, v10;
	v18 =	vld.idx.msk [tilespmem:v44+s13+$0x0], $0xffff  }
0x98: {  	[tilespmem:s23+$0xFFFFFFA0] =	vst v16;
	v26 =	vmul.f32 v43, v10;
	v58 =	vld.idx.msk [tilespmem:v41+s13+$0x0], $0xffff;
	v61 =	vadd.s32 s24, v35;
	v22 =	vadd.f32 v22, v52  }
0x99: {  	v41 =	vmul.f32 v20, v9;
	v43 =	vld.idx.msk [tilespmem:v55+s13+$0x0], $0xffff;
	v19 =	vadd.f32 v24, v19;
	v42 =	vmul.f32 v27, v11  }
0x9a: {  	v60 =	vld.idx.msk [tilespmem:v51+s13+$0x0], $0xffff;
	v59 =	vadd.s32 s28, v36;
	v22 =	vadd.f32 v26, v22;
	v14 =	vmul.f32 v53, v11  }
0x9b: {  	v46 =	vadd.s32 s26, v35;
	v23 =	vld.idx.msk [tilespmem:v54+s13+$0x0], $0xffff;
	[tilespmem:s29+$0x20] =	vst v19;
	v45 =	vmul.f32 v57, v10;
	v9 =	vadd.f32 v42, v41  }
0x9c: {  	v44 =	vadd.s32 s31, v34;
	v15 =	vld.idx.msk [tilespmem:v56+s13+$0x0], $0xffff;
	[tilespmem:s29+$0xFFFFFFA0] =	vst v22;
	v18 =	vmul.f32 v18, v10;
	v14 =	vadd.f32 v14, v62  }
0x9d: {  	v49 =	vadd.s32 s26, v37;
	v17 =	vld.idx.msk [tilespmem:v61+s13+$0x0], $0xffff;
	v9 =	vadd.f32 v45, v9  }
0x9e: {  	v21 =	vmul.f32 v21, v8;
	v48 =	vadd.s32 s31, v36;
	v52 =	vld.idx.msk [tilespmem:v63+s13+$0x0], $0xffff;
	v14 =	vadd.f32 v18, v14  }
0x9f: {  	v50 =	vmul.f32 v25, v8;
	v51 =	vmul.f32 v58, v13;
	v47 =	vld.idx.msk [tilespmem:v59+s13+$0x0], $0xffff;
	[tilespmem:s1+$0xFFFFFFA0] =	vst v9  }
0xa0: {  	v57 =	vmul.f32 v38, v8;
	v58 =	vmul.f32 v39, v8;
	v11 =	vld.idx.msk [tilespmem:v46+s13+$0x0], $0xffff;
	[tilespmem:s1+$0x20] =	vst v14  }
0xa1: {  	v23 =	vmul.f32 v23, v13;
	v16 =	vmul.f32 v60, v12;
	v55 =	vadd.f32 v51, v50;
	v54 =	vld.idx.msk [tilespmem:v44+s13+$0x0], $0xffff  }
0xa2: {  	v56 =	vmul.f32 v43, v12;
	v15 =	vmul.f32 v15, v13;
	v10 =	vld.idx.msk [tilespmem:v49+s13+$0x0], $0xffff  }
0xa3: {  	v53 =	vmul.f32 v33, v8;
	v8 =	vmul.f32 v20, v8;
	v16 =	vadd.f32 v16, v55;
	v18 =	vld.idx.msk [tilespmem:v48+s13+$0x0], $0xffff  }
0xa4: {  	v17 =	vmul.f32 v17, v13;
	v59 =	vmul.f32 v47, v12;
	v15 =	vadd.f32 v15, v58  }
0xa5: {  	v60 =	vmul.f32 v52, v12;
	v14 =	vadd.f32 v23, v53;
	v11 =	vmul.f32 v11, v13  }
0xa6: {  	[tilespmem:s22+$0xFFFFFFB0] =	vst v40;
	v17 =	vadd.f32 v17, v57;
	v61 =	vadd.f32 v59, v15;
	v9 =	vmul.f32 v54, v13  }
0xa7: {  	[tilespmem:s23+$0x30] =	vst v16;
	v14 =	vadd.f32 v56, v14;
	v10 =	vmul.f32 v10, v12;
	v8 =	vadd.f32 v11, v8  }
.Ltmp1:
0xa8: {  	v63 =	vadd.f32 v60, v17;
	[tilespmem:s29+$0x30] =	vst v61;
	v62 =	vmul.f32 v18, v12;
	v9 =	vadd.f32 v9, v21;
	(pc) =	sbr.rel @p1 .LBB2_3-.Ltmp1, $4  }
0xa9: {  	[tilespmem:s23+$0xFFFFFFB0] =	vst v14;
	v8 =	vadd.f32 v10, v8  }
0xaa: {  	[tilespmem:s29+$0xFFFFFFB0] =	vst v63;
	v9 =	vadd.f32 v62, v9  }
0xab: {  	[tilespmem:s1+$0xFFFFFFB0] =	vst v8  }
0xac: {  	s0 =	simm.s32 $0x40;
	p2 =	por $0x0, $0x0;
	[tilespmem:s1+$0x30] =	vst v9  }
0xad: {  	s0 =	sshll.u32 s19, $0x11  }
0xae: {  	s0 =	sor.u32 s4, s0  }
0xaf: {  	s0 =	sshrl.u32 s0, $0x3  }
0xb0: {  	s30 =	smul.u32 $0x88, s20;
	s1 =	simm.s32 @!p0 $0x2;
	s0 =	sadd.s32 s2, s0  }
0xb1: {  	[hbm4b:s0+s9] =	stream.strided.scatter [tilespmem:s14], [sflag:$0x1], $0x800, s10, s9, $0x38;
	[tilespmem:$0xDD80] =	vst v63  }
0xb2: {  	s21 =	smul.u32 $0x600, s20;
	_ =	swait.ge @!p0 [sflag:s1], $0x800  }
0xb3: {  	[sflag:s1] =	ssyncset.done @!p0 $0x0  }
0xb4: {  	s22 =	sadd.s32 $0x77, s30;
	s23 =	sshra.s32 s21, $0x2;
	[sflag:s1] =	ssyncadd.s32 @!p0 $0xFFFFF800  }
0xb5: {  	v3 =	vmov s30;
	s31 =	sadd.s32 $0x80, s23;
	s24 =	sadd.s32 $0x100, s23;
	v2 =	vmov s22;
	v4 =	vld [tilespmem:s30+$0x9877]  }
0xb6: {  	p1 =	por $0x1, $0x1;
	s21 =	simm.s32 $0x0;
	v5 =	vmov s23;
	v6 =	vmov s31;
	v7 =	vmov s24;
	s0 =	simm.s32 $0x0  }
.LBB2_7:
0xb7: {  	_ =	sdelay $0x3  }
0xb8: {  	v8 =	vld.idx.msk [tilespmem:v5+s0+$0x0 ss:$0x1], $0xffff  }
0xb9: {  	v9 =	vld.idx.msk [tilespmem:v6+s0+$0x0 ss:$0x1], $0xffff  }
0xba: {  	v10 =	vld.idx.msk [tilespmem:v7+s0+$0x0 ss:$0x1], $0xffff;
	_ =	sdelay $0x3  }
0xbb: {  	s1 =	sor.u32 $0x10, s0;
	v11 =	vmin.f32 v8, v9;
	v12 =	vmax.f32 v8, v9  }
0xbc: {  	v15 =	vld.idx.msk [tilespmem:v5+s1+$0x0 ss:$0x1], $0xffff;
	vm0 =	vle.f32 v8, v9;
	vm1 =	vle.f32 v8, v10;
	vm2 =	vle.f32 v9, v10  }
0xbd: {  	v8 =	vld.idx.msk [tilespmem:v6+s1+$0x0 ss:$0x1], $0xffff;
	v17 =	vmin.f32 v11, v10;
	v13 =	vmax.f32 v12, v10;
	v12 =	vmin.f32 v12, v10  }
0xbe: {  	vm3 =	vmand vm0, vm1;
	v10 =	vsel vm2, $0xFFFFFFDE, v0;
	v9 =	vmax.f32 v11, v12;
	v11 =	vld.idx.msk [tilespmem:v7+s1+$0x0 ss:$0x1], $0xffff  }
0xbf: {  	vm1 =	vmand vm1, vm2;
	v10 =	vsel vm3, $0xFFFFFFEF, v10;
	v12 =	vsel vm0, $0x22, v1  }
0xc0: {  	s29 =	simm.s32 $0x1;
	v19 =	vsub.f32 v9, v17;
	v20 =	vadd.s32 v2, v10;
	v10 =	vsel vm1, $0x44, v12  }
0xc1: {  	v18 =	vsub.f32 v13, v9;
	v21 =	vadd.s32 v3, v10;
	v23 =	vadd.s32 s29, v20  }
0xc2: {  	v24 =	vadd.s32 $0x2, v21;
	v9 =	vmin.f32 v15, v8;
	v10 =	vmax.f32 v15, v8  }
0xc3: {  	s24 =	sor.u32 $0x20, s0;
	vm14 =	vle.f32 v15, v8;
	v58 =	vadd.s32 s21, v24;
	v14 =	vmin.f32 v9, v11  }
0xc4: {  	v13 =	vld.idx.msk [tilespmem:v5+s24+$0x0 ss:$0x1], $0xffff;
	v12 =	vmax.f32 v10, v11;
	v10 =	vmin.f32 v10, v11;
	vm15 =	vle.f32 v15, v11  }
0xc5: {  	vm6 =	vle.f32 v8, v11;
	v8 =	vld.idx.msk [tilespmem:v6+s24+$0x0 ss:$0x1], $0xffff;
	v9 =	vmax.f32 v9, v10;
	vm7 =	vmand vm14, vm15  }
0xc6: {  	vm1 =	vmand vm15, vm6;
	v11 =	vsel vm6, $0xFFFFFFDE, v0;
	v16 =	vsub.f32 v9, v14  }
0xc7: {  	v10 =	vld.idx.msk [tilespmem:v7+s24+$0x0 ss:$0x1], $0xffff;
	v15 =	vsub.f32 v12, v9;
	v9 =	vsel vm7, $0xFFFFFFEF, v11;
	v11 =	vsel vm14, $0x22, v1  }
0xc8: {  	s24 =	simm.s32 $0x2;
	v29 =	vadd.s32 v2, v9;
	v9 =	vsel vm1, $0x44, v11;
	v11 =	vadd.s32 s29, v21  }
0xc9: {  	v22 =	vadd.s32 $0x2, v20;
	v44 =	vmov s24;
	v30 =	vadd.s32 $0x2, v29  }
0xca: {  	v23 =	vld.idx.msk [tilespmem:v23+s13+$0x0], $0xffff;
	v26 =	vadd.s32 v3, v9;
	v35 =	vadd.s32 s29, v29;
	v12 =	vmax.f32 v13, v8  }
0xcb: {  	v27 =	vadd.s32 $0x2, v26;
	v25 =	vmin.f32 v13, v8;
	vm8 =	vle.f32 v13, v8  }
0xcc: {  	v63 =	vld.idx.msk [tilespmem:v58+s13+$0x0], $0xffff;
	v28 =	vmin.f32 v12, v10;
	v9 =	vmin.f32 v25, v10;
	v12 =	vmax.f32 v12, v10  }
0xcd: {  	vm9 =	vle.f32 v13, v10;
	vm10 =	vle.f32 v8, v10;
	v10 =	vmov s29;
	v13 =	vld.idx.msk [tilespmem:v11+s13+$0x0], $0xffff  }
0xce: {  	v36 =	vadd.s32 s29, v26;
	v58 =	vadd.s32 s21, v30;
	v8 =	vld.idx.msk [tilespmem:v20+s13+$0x0], $0xffff;
	v40 =	vperm.xlane v4, v10  }
0xcf: {  	v25 =	vmax.f32 v25, v28;
	v28 =	vmov s21;
	v32 =	vmul.f32 v23, v19  }
0xd0: {  	v31 =	vld.idx.msk [tilespmem:v21+s13+$0x0], $0xffff;
	v52 =	vsel vm8, $0x22, v1;
	v39 =	vperm.xlane v4, v28;
	v28 =	vmul.f32 v40, v17  }
0xd1: {  	s25 =	sor.u32 $0x30, s0;
	vm11 =	vmand vm8, vm9;
	v11 =	vsub.f32 v25, v9;
	v10 =	vsub.f32 v12, v25  }
0xd2: {  	v33 =	vld.idx.msk [tilespmem:v6+s25+$0x0 ss:$0x1], $0xffff;
	v12 =	vsel vm10, $0xFFFFFFDE, v0;
	v32 =	vadd.f32 v32, v28;
	v13 =	vmul.f32 v13, v18  }
0xd3: {  	s26 =	sshll.u32 s0, $0x2;
	v25 =	vld.idx.msk [tilespmem:v5+s25+$0x0 ss:$0x1], $0xffff;
	v12 =	vsel vm11, $0xFFFFFFEF, v12;
	v34 =	vmul.f32 v39, v17;
	v8 =	vmul.f32 v8, v19  }
0xd4: {  	s0 =	sshra.s32 s26, $0x2;
	vm1 =	vmand vm9, vm10;
	v23 =	vadd.s32 v2, v12;
	v12 =	vld.idx.msk [tilespmem:v7+s25+$0x0 ss:$0x1], $0xffff;
	v13 =	vadd.f32 v13, v32  }
0xd5: {  	s22 =	sadd.s32 $0xD630, s0;
	v31 =	vmul.f32 v31, v18;
	v43 =	vmul.f32 v40, v14;
	v8 =	vadd.f32 v8, v34  }
0xd6: {  	v53 =	vsel vm1, $0x44, v52;
	s25 =	simm.s32 $0x3;
	v45 =	vmul.f32 v39, v14;
	v49 =	vmul.f32 v39, v9;
	[tilespmem:s22+$0xFFFFFFD0] =	vst v13  }
0xd7: {  	v28 =	vadd.s32 $0x2, v23;
	v55 =	vadd.s32 s25, v20;
	v37 =	vadd.f32 v31, v8;
	v35 =	vld.idx.msk [tilespmem:v35+s13+$0x0], $0xffff  }
0xd8: {  	v42 =	vadd.s32 s25, v21;
	v54 =	vmin.f32 v25, v33;
	v38 =	vmax.f32 v25, v33  }
0xd9: {  	vm12 =	vle.f32 v25, v33;
	vm13 =	vle.f32 v25, v12;
	v25 =	vadd.s32 s21, v22;
	[tilespmem:s22+$0xFFFFFF50] =	vst v37;
	v56 =	vld.idx.msk [tilespmem:v36+s13+$0x0], $0xffff  }
0xda: {  	v60 =	vadd.s32 s29, v23;
	v62 =	vmov s25;
	v31 =	vadd.s32 v3, v53;
	v37 =	vld.idx.msk [tilespmem:v29+s13+$0x0], $0xffff  }
0xdb: {  	v8 =	vmin.f32 v54, v12;
	v41 =	vmax.f32 v38, v12;
	vm14 =	vle.f32 v33, v12  }
0xdc: {  	vm15 =	vmand vm12, vm13;
	v59 =	vsel vm14, $0xFFFFFFDE, v0;
	v57 =	vld.idx.msk [tilespmem:v26+s13+$0x0], $0xffff;
	v35 =	vmul.f32 v35, v16  }
0xdd: {  	v48 =	vadd.s32 s29, v31;
	v13 =	vmin.f32 v38, v12;
	v38 =	vld.idx.msk [tilespmem:v55+s13+$0x0], $0xffff;
	v50 =	vsel vm15, $0xFFFFFFEF, v59  }
0xde: {  	v34 =	vmax.f32 v54, v13;
	v46 =	vld.idx.msk [tilespmem:v25+s13+$0x0], $0xffff;
	v33 =	vmul.f32 v56, v15;
	v25 =	vadd.f32 v35, v43  }
0xdf: {  	v42 =	vld.idx.msk [tilespmem:v42+s13+$0x0], $0xffff;
	v13 =	vsub.f32 v34, v8;
	v12 =	vsub.f32 v41, v34;
	v37 =	vmul.f32 v37, v16  }
0xe0: {  	v34 =	vadd.s32 v2, v50;
	v47 =	vadd.f32 v33, v25;
	v25 =	vperm.xlane v4, v62  }
0xe1: {  	v36 =	vmul.f32 v57, v15;
	v61 =	vadd.f32 v37, v45;
	v33 =	vperm.xlane v4, v44  }
0xe2: {  	v50 =	vadd.s32 s24, v24;
	v38 =	vmul.f32 v38, v19;
	v37 =	vmul.f32 v25, v17  }
0xe3: {  	v52 =	vmul.f32 v46, v19;
	v36 =	vadd.f32 v36, v61;
	[tilespmem:s22+$0xFFFFFFE0] =	vst v47;
	v51 =	vmul.f32 v33, v17  }
0xe4: {  	v54 =	vmul.f32 v42, v18;
	v56 =	vadd.s32 s25, v29;
	v43 =	vld.idx.msk [tilespmem:v60+s13+$0x0], $0xffff;
	v37 =	vadd.f32 v38, v37  }
0xe5: {  	v53 =	vsel vm12, $0x22, v1;
	v55 =	vmul.f32 v63, v18;
	[tilespmem:s22+$0xFFFFFF60] =	vst v36;
	v47 =	vld.idx.msk [tilespmem:v48+s13+$0x0], $0xffff;
	v41 =	vadd.f32 v52, v51  }
0xe6: {  	v32 =	vadd.s32 $0x2, v31;
	v46 =	vld.idx.msk [tilespmem:v23+s13+$0x0], $0xffff;
	v60 =	vadd.s32 s25, v26;
	v37 =	vadd.f32 v54, v37  }
0xe7: {  	s28 =	simm.s32 $0x5;
	s23 =	sadd.s32 $0x100, s22;
	vm1 =	vmand vm13, vm14;
	v61 =	vadd.s32 s21, v27;
	v59 =	vld.idx.msk [tilespmem:v31+s13+$0x0], $0xffff;
	v41 =	vadd.f32 v55, v41  }
0xe8: {  	v57 =	vsel vm1, $0x44, v53;
	v53 =	vadd.s32 s28, v21;
	v50 =	vld.idx.msk [tilespmem:v50+s13+$0x0], $0xffff;
	v52 =	vadd.s32 s28, v20;
	[tilespmem:s23+$0xFFFFFFD0] =	vst v37  }
0xe9: {  	v62 =	vmul.f32 v40, v9;
	v51 =	vadd.s32 s24, v22;
	v43 =	vmul.f32 v43, v11;
	[tilespmem:s23+$0xFFFFFF50] =	vst v41;
	v63 =	vld.idx.msk [tilespmem:v56+s13+$0x0], $0xffff  }
0xea: {  	v35 =	vadd.s32 $0x2, v34;
	v36 =	vadd.s32 v3, v57;
	v57 =	vmul.f32 v47, v10;
	v44 =	vld.idx.msk [tilespmem:v58+s13+$0x0], $0xffff  }
0xeb: {  	v56 =	vmul.f32 v46, v11;
	v58 =	vadd.s32 s29, v34;
	v48 =	vld.idx.msk [tilespmem:v60+s13+$0x0], $0xffff;
	v43 =	vadd.f32 v43, v62  }
0xec: {  	v40 =	vmul.f32 v40, v8;
	v38 =	vmul.f32 v59, v10;
	v59 =	vadd.s32 s29, v36;
	v42 =	vld.idx.msk [tilespmem:v61+s13+$0x0], $0xffff  }
0xed: {  	s26 =	simm.s32 $0x4;
	v54 =	vadd.s32 s21, v28;
	v52 =	vld.idx.msk [tilespmem:v52+s13+$0x0], $0xffff;
	v45 =	vadd.f32 v56, v49;
	v43 =	vadd.f32 v57, v43  }
0xee: {  	v61 =	vmov s26;
	v51 =	vld.idx.msk [tilespmem:v51+s13+$0x0], $0xffff;
	v62 =	vmul.f32 v25, v14;
	v49 =	vmul.f32 v39, v8  }
0xef: {  	v45 =	vadd.f32 v38, v45;
	v38 =	vperm.xlane v4, v61;
	[tilespmem:s22+$0xFFFFFFF0] =	vst v43;
	v41 =	vmul.f32 v63, v16  }
0xf0: {  	v61 =	vadd.s32 s25, v23;
	v63 =	vmul.f32 v33, v14;
	v44 =	vmul.f32 v44, v16;
	v43 =	vld.idx.msk [tilespmem:v58+s13+$0x0], $0xffff  }
0xf1: {  	v60 =	vmul.f32 v48, v15;
	v42 =	vmul.f32 v42, v15;
	v46 =	vld.idx.msk [tilespmem:v59+s13+$0x0], $0xffff;
	v39 =	vadd.f32 v41, v62  }
0xf2: {  	v55 =	vadd.s32 s21, v32;
	v52 =	vmul.f32 v52, v19;
	v56 =	vmul.f32 v38, v17;
	[tilespmem:s22+$0xFFFFFF70] =	vst v45;
	v45 =	vld.idx.msk [tilespmem:v53+s13+$0x0], $0xffff  }
0xf3: {  	v44 =	vadd.f32 v44, v63;
	v62 =	vmov s28;
	v41 =	vadd.f32 v60, v39  }
0xf4: {  	v58 =	vmul.f32 v50, v18;
	v63 =	vadd.s32 s25, v31;
	v57 =	vld.idx.msk [tilespmem:v34+s13+$0x0], $0xffff;
	v39 =	vperm.xlane v4, v62  }
0xf5: {  	v37 =	vadd.s32 $0x2, v36;
	v42 =	vadd.f32 v42, v44;
	v44 =	vld.idx.msk [tilespmem:v36+s13+$0x0], $0xffff;
	[tilespmem:s23+$0xFFFFFFE0] =	vst v41;
	v59 =	vmul.f32 v43, v13  }
0xf6: {  	v47 =	vadd.s32 s24, v30;
	v60 =	vmul.f32 v39, v17;
	v48 =	vld.idx.msk [tilespmem:v61+s13+$0x0], $0xffff;
	v61 =	vmul.f32 v51, v19  }
0xf7: {  	v43 =	vadd.s32 s24, v27;
	[tilespmem:s23+$0xFFFFFF60] =	vst v42;
	v62 =	vmul.f32 v46, v12;
	v45 =	vmul.f32 v45, v18  }
0xf8: {  	v46 =	vld.idx.msk [tilespmem:v54+s13+$0x0], $0xffff;
	v54 =	vadd.s32 s28, v29;
	v50 =	vadd.f32 v52, v60;
	v42 =	vadd.f32 v61, v56  }
0xf9: {  	v53 =	vld.idx.msk [tilespmem:v63+s13+$0x0], $0xffff;
	v63 =	vmul.f32 v57, v13;
	v51 =	vadd.s32 s26, v24;
	v40 =	vadd.f32 v59, v40  }
0xfa: {  	v60 =	vadd.f32 v45, v50;
	v50 =	vadd.s32 s28, v26;
	v56 =	vadd.f32 v58, v42;
	v42 =	vld.idx.msk [tilespmem:v55+s13+$0x0], $0xffff  }
0xfb: {  	s29 =	sadd.s32 $0x100, s23;
	v61 =	vmul.f32 v44, v12;
	v44 =	vmul.f32 v33, v9;
	v49 =	vadd.f32 v63, v49  }
0xfc: {  	v41 =	vadd.f32 v62, v40;
	v62 =	vmul.f32 v25, v9;
	[tilespmem:s29+$0xFFFFFFD0] =	vst v60;
	v63 =	vmul.f32 v48, v11  }
0xfd: {  	p0 =	por p1, p1;
	s31 =	simm.s32 $0x7;
	v52 =	vadd.s32 s26, v22;
	v40 =	vadd.f32 v61, v49;
	v46 =	vmul.f32 v46, v11;
	[tilespmem:s29+$0xFFFFFF50] =	vst v56;
	v48 =	vld.idx.msk [tilespmem:v54+s13+$0x0], $0xffff  }
0xfe: {  	s30 =	simm.s32 $0x0;
	s0 =	simm.s32 $0x6;
	s1 =	simm.s32 $0x8;
	[tilespmem:s22+$0x0] =	vst v41;
	v41 =	vadd.s32 s25, v34;
	v49 =	vld.idx.msk [tilespmem:v47+s13+$0x0], $0xffff;
	v45 =	vadd.f32 v63, v62;
	v47 =	vmul.f32 v53, v10  }
.LBB2_8:
0xff: {  	p1 =	slt.u32 s1, $0xE;
	v53 =	vadd.s32 s31, v20;
	v50 =	vld.idx.msk [tilespmem:v50+s13+$0x0], $0xffff;
	v44 =	vadd.f32 v46, v44;
	v42 =	vmul.f32 v42, v10;
	[tilespmem:s22+$0xFFFFFF80] =	vst v40;
	s22 =	smov.u32 s23;
	s23 =	smov.u32 s29  }
0x100: {  	v46 =	vadd.s32 s24, v28;
	v40 =	vld.idx.msk [tilespmem:v43+s13+$0x0], $0xffff;
	v43 =	vadd.f32 v47, v45;
	v45 =	vadd.s32 s25, v36;
	s25 =	smov.u32 s28;
	s28 =	smov.u32 s31  }
0x101: {  	v47 =	vmov s0;
	v51 =	vld.idx.msk [tilespmem:v51+s13+$0x0], $0xffff;
	v54 =	vadd.s32 s28, v21;
	v42 =	vadd.f32 v42, v44  }
0x102: {  	v44 =	vperm.xlane v4, v47;
	v47 =	vld.idx.msk [tilespmem:v52+s13+$0x0], $0xffff;
	v52 =	vmul.f32 v33, v8;
	[tilespmem:s22+$0xFFFFFFF0] =	vst v43;
	v43 =	vadd.s32 s30, v35  }
0x103: {  	v55 =	vmul.f32 v39, v14;
	v48 =	vmul.f32 v48, v16;
	[tilespmem:s22+$0xFFFFFF70] =	vst v42;
	v41 =	vld.idx.msk [tilespmem:v41+s13+$0x0], $0xffff;
	v42 =	vadd.s32 s30, v37;
	s30 =	smov.u32 s24;
	s24 =	smov.u32 s26;
	s26 =	smov.u32 s0  }
0x104: {  	v56 =	vmul.f32 v38, v14;
	v33 =	vmovc v38;
	v49 =	vmul.f32 v49, v16;
	s0 =	smov.u32 s1;
	v53 =	vld.idx.msk [tilespmem:v53+s13+$0x0], $0xffff;
	v57 =	vadd.s32 s30, v32  }
0x105: {  	v38 =	vmovc v44;
	v48 =	vadd.f32 v48, v55;
	v50 =	vmul.f32 v50, v15;
	v55 =	vadd.s32 s25, v23;
	v45 =	vld.idx.msk [tilespmem:v45+s13+$0x0], $0xffff  }
0x106: {  	v44 =	vmul.f32 v38, v17;
	v49 =	vadd.f32 v49, v56;
	v40 =	vmul.f32 v40, v15;
	v54 =	vld.idx.msk [tilespmem:v54+s13+$0x0], $0xffff  }
0x107: {  	v56 =	vmov s28;
	v48 =	vadd.f32 v50, v48;
	v50 =	vadd.s32 s25, v31;
	v58 =	vld.idx.msk [tilespmem:v43+s13+$0x0], $0xffff  }
0x108: {  	v51 =	vmul.f32 v51, v18;
	v56 =	vperm.xlane v4, v56;
	v40 =	vadd.f32 v40, v49;
	v49 =	vld.idx.msk [tilespmem:v42+s13+$0x0], $0xffff  }
0x109: {  	v59 =	vadd.s32 s24, v30;
	v42 =	vmul.f32 v25, v8;
	v41 =	vmul.f32 v41, v13;
	v25 =	vmovc v39;
	[tilespmem:s29+$0xFFFFFFE0] =	vst v48  }
0x10a: {  	v43 =	vadd.s32 s24, v27;
	v60 =	vmul.f32 v56, v17;
	v48 =	vmul.f32 v53, v19;
	[tilespmem:s29+$0xFFFFFF60] =	vst v40;
	v40 =	vld.idx.msk [tilespmem:v55+s13+$0x0], $0xffff  }
0x10b: {  	v47 =	vmul.f32 v47, v19;
	v41 =	vadd.f32 v41, v42;
	v45 =	vmul.f32 v45, v12;
	v46 =	vld.idx.msk [tilespmem:v46+s13+$0x0], $0xffff  }
0x10c: {  	v39 =	vmovc v56;
	v48 =	vadd.f32 v48, v60;
	v53 =	vmul.f32 v54, v18;
	v54 =	vadd.s32 s28, v29;
	v55 =	vld.idx.msk [tilespmem:v50+s13+$0x0], $0xffff  }
0x10d: {  	v44 =	vadd.f32 v47, v44;
	v47 =	vmul.f32 v58, v13;
	v41 =	vadd.f32 v45, v41;
	v42 =	vld.idx.msk [tilespmem:v57+s13+$0x0], $0xffff  }
.Ltmp2:
0x10e: {  	v50 =	vadd.s32 s28, v26;
	v45 =	vadd.f32 v53, v48;
	v49 =	vmul.f32 v49, v12;
	(pc) =	sbr.rel @p1 .LBB2_8-.Ltmp2, $4  }
0x10f: {  	s29 =	sadd.s32 $0x100, s29;
	v48 =	vadd.f32 v51, v44;
	v44 =	vmul.f32 v33, v9;
	v47 =	vadd.f32 v47, v52;
	[tilespmem:s22+$0x0] =	vst v41  }
0x110: {  	v51 =	vadd.s32 s26, v24;
	v41 =	vmul.f32 v25, v9;
	[tilespmem:s29+$0xFFFFFFD0] =	vst v45;
	v45 =	vmul.f32 v40, v11  }
0x111: {  	v52 =	vadd.s32 s26, v22;
	v46 =	vmul.f32 v46, v11;
	v40 =	vadd.f32 v49, v47;
	[tilespmem:s29+$0xFFFFFF50] =	vst v48;
	v48 =	vld.idx.msk [tilespmem:v54+s13+$0x0], $0xffff  }
0x112: {  	s1 =	sadd.s32 $0x2, s1;
	s31 =	sadd.s32 $0x1, s0;
	v47 =	vmul.f32 v55, v10;
	v49 =	vld.idx.msk [tilespmem:v59+s13+$0x0], $0xffff;
	v45 =	vadd.f32 v45, v41;
	v41 =	vadd.s32 s25, v34  }
0x113: {  	v20 =	vadd.s32 s31, v20;
	_ =	sdelay $0x1  }
0x114: {  	v21 =	vadd.s32 s31, v21;
	_ =	sdelay $0x1  }
0x115: {  	v24 =	vld.idx.msk [tilespmem:v52+s13+$0x0], $0xffff  }
0x116: {  	v22 =	vld.idx.msk [tilespmem:v20+s13+$0x0], $0xffff  }
0x117: {  	v53 =	vmov s0;
	v51 =	vld.idx.msk [tilespmem:v51+s13+$0x0], $0xffff  }
0x118: {  	v59 =	vmov s31;
	v58 =	vld.idx.msk [tilespmem:v21+s13+$0x0], $0xffff;
	v20 =	vperm.xlane v4, v53  }
0x119: {  	v21 =	vperm.xlane v4, v59  }
0x11a: {  	v62 =	vmul.f32 v24, v19;
	v61 =	vmul.f32 v20, v17  }
0x11b: {  	v60 =	vmul.f32 v21, v17;
	v22 =	vmul.f32 v22, v19  }
0x11c: {  	v30 =	vadd.s32 s26, v30;
	v52 =	vmul.f32 v51, v18;
	v17 =	vadd.f32 v62, v61  }
0x11d: {  	v29 =	vadd.s32 s31, v29;
	v50 =	vld.idx.msk [tilespmem:v50+s13+$0x0], $0xffff;
	v63 =	vmul.f32 v58, v18;
	v22 =	vadd.f32 v22, v60  }
0x11e: {  	v55 =	vadd.s32 s26, v27;
	v17 =	vadd.f32 v52, v17  }
0x11f: {  	v54 =	vadd.s32 s31, v26;
	s1 =	sadd.s32 $0x100, s29;
	v53 =	vld.idx.msk [tilespmem:v43+s13+$0x0], $0xffff;
	v22 =	vadd.f32 v63, v22  }
0x120: {  	[tilespmem:s1+$0xFFFFFF50] =	vst v17  }
0x121: {  	v56 =	vmul.f32 v39, v14;
	v57 =	vmul.f32 v48, v16;
	v30 =	vld.idx.msk [tilespmem:v30+s13+$0x0], $0xffff;
	[tilespmem:s1+$0xFFFFFFD0] =	vst v22  }
0x122: {  	v59 =	vmul.f32 v49, v16;
	v61 =	vmul.f32 v50, v15;
	v60 =	vld.idx.msk [tilespmem:v29+s13+$0x0], $0xffff  }
0x123: {  	v62 =	vadd.s32 s28, v23;
	v58 =	vmul.f32 v38, v14;
	v18 =	vadd.f32 v57, v56;
	v26 =	vld.idx.msk [tilespmem:v55+s13+$0x0], $0xffff  }
0x124: {  	v19 =	vmul.f32 v53, v15;
	v53 =	vmul.f32 v21, v14;
	v24 =	vld.idx.msk [tilespmem:v54+s13+$0x0], $0xffff  }
0x125: {  	v18 =	vadd.f32 v61, v18;
	v63 =	vadd.s32 s24, v28;
	v22 =	vadd.f32 v59, v58  }
0x126: {  	v51 =	vadd.s32 s28, v31;
	v55 =	vmul.f32 v20, v14;
	v56 =	vmul.f32 v30, v16  }
0x127: {  	v52 =	vadd.s32 s24, v32;
	[tilespmem:s29+$0xFFFFFFE0] =	vst v18;
	v19 =	vadd.f32 v19, v22;
	v17 =	vmul.f32 v60, v16  }
0x128: {  	v61 =	vadd.s32 s26, v28;
	v54 =	vld.idx.msk [tilespmem:v62+s13+$0x0], $0xffff;
	v62 =	vmul.f32 v26, v15;
	v14 =	vadd.f32 v56, v55  }
0x129: {  	v59 =	vadd.s32 s31, v23;
	[tilespmem:s29+$0xFFFFFF60] =	vst v19;
	v58 =	vmul.f32 v24, v15;
	v17 =	vadd.f32 v17, v53  }
0x12a: {  	v48 =	vadd.s32 s26, v32;
	v49 =	vadd.f32 v47, v45;
	v57 =	vld.idx.msk [tilespmem:v63+s13+$0x0], $0xffff;
	v14 =	vadd.f32 v62, v14  }
0x12b: {  	v63 =	vadd.f32 v46, v44;
	v44 =	vadd.s32 s31, v31;
	v60 =	vld.idx.msk [tilespmem:v51+s13+$0x0], $0xffff;
	v17 =	vadd.f32 v58, v17  }
0x12c: {  	v50 =	vmul.f32 v39, v9;
	v43 =	vld.idx.msk [tilespmem:v52+s13+$0x0], $0xffff;
	v46 =	vmul.f32 v42, v10;
	[tilespmem:s1+$0xFFFFFF60] =	vst v14  }
0x12d: {  	v52 =	vmul.f32 v38, v9;
	v55 =	vadd.s32 s30, v37;
	v56 =	vadd.s32 s28, v34;
	v27 =	vld.idx.msk [tilespmem:v61+s13+$0x0], $0xffff;
	[tilespmem:s1+$0xFFFFFFE0] =	vst v17  }
0x12e: {  	v19 =	vmul.f32 v54, v11;
	v51 =	vadd.s32 s25, v36;
	v54 =	vadd.s32 s30, v35;
	v53 =	vld.idx.msk [tilespmem:v59+s13+$0x0], $0xffff  }
0x12f: {  	v16 =	vadd.f32 v46, v63;
	v62 =	vmul.f32 v21, v9;
	v22 =	vmul.f32 v57, v11;
	v57 =	vld.idx.msk [tilespmem:v48+s13+$0x0], $0xffff  }
0x130: {  	[tilespmem:s23+$0xFFFFFFF0] =	vst v49;
	v63 =	vadd.s32 s24, v37;
	v19 =	vadd.f32 v19, v50;
	v24 =	vmul.f32 v60, v10;
	v18 =	vld.idx.msk [tilespmem:v44+s13+$0x0], $0xffff  }
0x131: {  	[tilespmem:s23+$0xFFFFFF70] =	vst v16;
	v26 =	vmul.f32 v43, v10;
	v58 =	vld.idx.msk [tilespmem:v41+s13+$0x0], $0xffff;
	v61 =	vadd.s32 s24, v35;
	v22 =	vadd.f32 v22, v52  }
0x132: {  	v41 =	vmul.f32 v20, v9;
	v43 =	vld.idx.msk [tilespmem:v55+s13+$0x0], $0xffff;
	v19 =	vadd.f32 v24, v19;
	v42 =	vmul.f32 v27, v11  }
0x133: {  	v60 =	vld.idx.msk [tilespmem:v51+s13+$0x0], $0xffff;
	v59 =	vadd.s32 s28, v36;
	v22 =	vadd.f32 v26, v22;
	v14 =	vmul.f32 v53, v11  }
0x134: {  	v46 =	vadd.s32 s26, v35;
	v23 =	vld.idx.msk [tilespmem:v54+s13+$0x0], $0xffff;
	[tilespmem:s29+$0xFFFFFFF0] =	vst v19;
	v45 =	vmul.f32 v57, v10;
	v9 =	vadd.f32 v42, v41  }
0x135: {  	v44 =	vadd.s32 s31, v34;
	v15 =	vld.idx.msk [tilespmem:v56+s13+$0x0], $0xffff;
	[tilespmem:s29+$0xFFFFFF70] =	vst v22;
	v18 =	vmul.f32 v18, v10;
	v14 =	vadd.f32 v14, v62  }
0x136: {  	v49 =	vadd.s32 s26, v37;
	v17 =	vld.idx.msk [tilespmem:v61+s13+$0x0], $0xffff;
	v9 =	vadd.f32 v45, v9  }
0x137: {  	v21 =	vmul.f32 v21, v8;
	v48 =	vadd.s32 s31, v36;
	v52 =	vld.idx.msk [tilespmem:v63+s13+$0x0], $0xffff;
	v14 =	vadd.f32 v18, v14  }
0x138: {  	v50 =	vmul.f32 v25, v8;
	v51 =	vmul.f32 v58, v13;
	v47 =	vld.idx.msk [tilespmem:v59+s13+$0x0], $0xffff;
	[tilespmem:s1+$0xFFFFFF70] =	vst v9  }
0x139: {  	v57 =	vmul.f32 v38, v8;
	v58 =	vmul.f32 v39, v8;
	v11 =	vld.idx.msk [tilespmem:v46+s13+$0x0], $0xffff;
	[tilespmem:s1+$0xFFFFFFF0] =	vst v14  }
0x13a: {  	v23 =	vmul.f32 v23, v13;
	v16 =	vmul.f32 v60, v12;
	v55 =	vadd.f32 v51, v50;
	v54 =	vld.idx.msk [tilespmem:v44+s13+$0x0], $0xffff  }
0x13b: {  	v56 =	vmul.f32 v43, v12;
	v15 =	vmul.f32 v15, v13;
	v10 =	vld.idx.msk [tilespmem:v49+s13+$0x0], $0xffff  }
0x13c: {  	v53 =	vmul.f32 v33, v8;
	v8 =	vmul.f32 v20, v8;
	v16 =	vadd.f32 v16, v55;
	v18 =	vld.idx.msk [tilespmem:v48+s13+$0x0], $0xffff  }
0x13d: {  	v17 =	vmul.f32 v17, v13;
	v59 =	vmul.f32 v47, v12;
	v15 =	vadd.f32 v15, v58  }
0x13e: {  	v60 =	vmul.f32 v52, v12;
	v14 =	vadd.f32 v23, v53;
	v11 =	vmul.f32 v11, v13  }
0x13f: {  	[tilespmem:s22+$0xFFFFFF80] =	vst v40;
	v17 =	vadd.f32 v17, v57;
	v61 =	vadd.f32 v59, v15;
	v9 =	vmul.f32 v54, v13  }
0x140: {  	[tilespmem:s23+$0x0] =	vst v16;
	v14 =	vadd.f32 v56, v14;
	v10 =	vmul.f32 v10, v12;
	v8 =	vadd.f32 v11, v8  }
.Ltmp3:
0x141: {  	v63 =	vadd.f32 v60, v17;
	[tilespmem:s29+$0x0] =	vst v61;
	v62 =	vmul.f32 v18, v12;
	v9 =	vadd.f32 v9, v21;
	(pc) =	sbr.rel @p0 .LBB2_7-.Ltmp3, $4  }
0x142: {  	[tilespmem:s23+$0xFFFFFF80] =	vst v14;
	v8 =	vadd.f32 v10, v8  }
0x143: {  	[tilespmem:s29+$0xFFFFFF80] =	vst v63;
	v9 =	vadd.f32 v62, v9  }
0x144: {  	[tilespmem:s1+$0xFFFFFF80] =	vst v8  }
0x145: {  	s0 =	simm.s32 $0x40;
	p1 =	por $0x0, $0x0;
	[tilespmem:s1+$0x0] =	vst v9  }
0x146: {  	s19 =	sadd.s32 $0x1, s19  }
0x147: {  	p0 =	sne.s32 s19, $0x32  }
.Ltmp4:
0x148: {  	s0 =	sshll.u32 s20, $0x10;
	(pc) =	sbr.rel @p0 .LBB2_2-.Ltmp4, $4  }
0x149: {  	s0 =	sor.u32 s4, s0  }
0x14a: {  	s0 =	sshrl.u32 s0, $0x3  }
0x14b: {  	s0 =	sadd.s32 s2, s0  }
0x14c: {  	[hbm4b:s0+s9] =	stream.strided.scatter [tilespmem:s15], [sflag:$0x2], $0x800, s10, s9, $0x38;
	[tilespmem:$0xDD80] =	vst v63  }
0x14d: {  	s18 =	sadd.s32 $0x1, s18  }
0x14e: {  	_ =	swait.ge [sflag:s16], $0x800;
	p0 =	sne.s32 s18, s8  }
.Ltmp5:
0x14f: {  	[sflag:s16] =	ssyncset.done $0x0;
	(pc) =	sbr.rel @p0 .LBB2_1-.Ltmp5, $4  }
0x150: {  	[sflag:s16] =	ssyncadd.s32 $0xFFFFF800  }
0x151: {  	_ =	swait.ge [sflag:s17], $0x800  }
0x152: {  	[sflag:s17] =	ssyncset.done $0x0  }
0x153: {  	[sflag:s17] =	ssyncadd.s32 $0xFFFFF800  }
0x154: {  	_ =	sfence.sel $0x180000  }
0x155: {  	[bflag:$0x0] =	sbarrier.arrive $0xFFFF  }
0x156: {  	_ =	strace $0x90000047  }
0x157: {  	s0 =	stileid.u32;
	[bflag:$0x2] =	sbarrier.arrive $0xFFFF  }
0x158: {  	p0 =	sne.s32 s0, $0x0;
	s0 =	rddreg [dreg:$0x3]  }
0x159: {  	s0 =	sadd.s32 @!p0 $0x100000, s0  }
0x15a: {  	[sflag:s0] =	ssyncadd.tile.s32 @!p0 $0x1;
	_ =	shalt  }
.Lfunc_end2:
_tile_overlayer_lowered:
.L_overlay_start_2:
0x15b: {  	(tag) =	ssettag $0x2  }
0x15c: {  	s0 =	rddreg [dreg:$0x0];
	s2 =	stileid.u32  }
0x15d: {  	s1 =	rddreg [dreg:$0x1];
	p0 =	sne.s32 s2, $0x0  }
0x15e: {  	s3 =	rddreg [dreg:$0x2];
	[bflag:$0x3] =	sbarrier.arrive $0xFFFF;
	s2 =	simm.s32 @!p0 $0x1C03  }
0x15f: {  	[timem:s3], [sflag:s2] =	dma.local @!p0 [hbm:s0], s1  }
0x160: {  	s0 =	simm.s32 @!p0 $0x3  }
0x161: {  	_ =	swait.ge @!p0 [sflag:s0], s1  }
0x162: {  	s1 =	ssub.s32 @!p0 $0x0, s1;
	[sflag:s0] =	ssyncset.done @!p0 $0x0  }
0x163: {  	[sflag:s0] =	ssyncadd.s32 @!p0 s1  }
0x164: {  	[bflag:$0x3] =	sbarrier.arrive $0xFFFF  }
0x165: {  	_ =	shalt  }

</sc_bundles>
